<compile_context>
chip_gen: v7x
topology: tpu7x:2x2x1
jax: 0.10.2.dev20260603
libtpu: 0.0.44.dev20260713+nightly
codegen_flags: <defaults>
</compile_context>

<pallas_src>
import functools

import jax
import jax.numpy as jnp
from jax import lax
from jax.experimental import pallas as pl
from jax.experimental.pallas import tpu as pltpu
from jax.experimental.pallas import tpu_sc as plsc

N = 10000
E = 160000
F = 256
QC = 64
NQ = F // QC
NC = 2
NS = 16
CHUNK = 80
NCH = E // NS // CHUNK
NBUF = 5
N_PAD = 10240
STRIPE = N_PAD // NS

_MESH = plsc.VectorSubcoreMesh(core_axis_name="c", subcore_axis_name="s")


@functools.partial(
    pl.kernel,
    out_type=jax.ShapeDtypeStruct((2, N_PAD), jnp.float32),
    mesh=_MESH,
    scratch_types=[
        pltpu.VMEM((NCH, CHUNK), jnp.int32),
        pltpu.VMEM((128,), jnp.float32),
        pltpu.VMEM_SHARED((N_PAD,), jnp.float32),
        pltpu.SemaphoreType.DMA,
    ],
)
def _degrees(edge_hbm, ones_hbm, zeros_hbm, deg_hbm, idx_v, ones_v,
             shared, dsem):
    c = lax.axis_index("c")
    s = lax.axis_index("s")
    pltpu.sync_copy(edge_hbm.at[c, s], idx_v)
    pltpu.sync_copy(ones_hbm, ones_v)
    pltpu.sync_copy(zeros_hbm, shared.at[pl.ds(s * STRIPE, STRIPE)])
    plsc.subcore_barrier()

    @pl.loop(0, NCH)
    def _(j):
        pltpu.async_copy(ones_v.at[pl.ds(0, CHUNK)], shared.at[idx_v.at[j]],
                         dsem, add=True)

    @pl.loop(0, NCH)
    def _(j):
        pltpu.make_async_copy(ones_v.at[pl.ds(0, CHUNK)],
                              shared.at[idx_v.at[0]], dsem).wait()

    plsc.subcore_barrier()
    pltpu.sync_copy(shared.at[pl.ds(s * STRIPE, STRIPE)],
                    deg_hbm.at[c, pl.ds(s * STRIPE, STRIPE)])


@functools.partial(
    pl.kernel,
    out_type=jax.ShapeDtypeStruct((2, N_PAD, 2 * QC), jnp.float32),
    mesh=_MESH,
    scratch_types=[
        pltpu.VMEM((NCH, CHUNK), jnp.int32),
        pltpu.VMEM((NCH, CHUNK), jnp.int32),
        [pltpu.VMEM((CHUNK, QC), jnp.float32) for _ in range(NBUF)],
        pltpu.VMEM_SHARED((N_PAD, QC), jnp.float32),
        pltpu.SemaphoreType.DMA,
    ],
    compiler_params=pltpu.CompilerParams(use_tc_tiling_on_sc=False),
)
def _spmm(hq_hbm, edge_hbm, zeros_hbm, out_hbm,
          sidx, didx, bufs, shared, gsem):
    c = lax.axis_index("c")
    s = lax.axis_index("s")
    pltpu.sync_copy(edge_hbm.at[0, s], sidx)
    pltpu.sync_copy(edge_hbm.at[1, s], didx)

    def map_rows(scale, off):
        offv = jnp.full((16,), off, jnp.int32)

        @pl.loop(0, NCH)
        def _(j):
            for k in range(CHUNK // 16):
                sl = (j, pl.ds(k * 16, 16))
                v = sidx[sl]
                sidx[sl] = (v + v if scale == 2 else v) + offv

    def gidx(ch):
        return sidx.at[ch]

    for p in range(2):
        if p == 0:
            map_rows(2, c * (2 * N))
        else:
            map_rows(1, 1)
        pltpu.sync_copy(zeros_hbm, shared.at[pl.ds(s * STRIPE, STRIPE)])
        plsc.subcore_barrier()

        for ch in range(NBUF - 1):
            pltpu.async_copy(hq_hbm.at[gidx(ch)], bufs[ch], gsem)

        def step(ch, b):
            buf = bufs[b]
            pltpu.make_async_copy(hq_hbm.at[gidx(0)], buf, gsem).wait()
            nxt = ch + NBUF - 1

            @pl.when(nxt < NCH)
            def _():
                pltpu.async_copy(hq_hbm.at[gidx(nxt)],
                                 bufs[(b + NBUF - 1) % NBUF], gsem)

            pltpu.sync_copy(buf, shared.at[didx.at[ch]], add=True)

        @pl.loop(0, NCH // NBUF)
        def _(g):
            for b in range(NBUF):
                step(g * NBUF + b, b)

        for ch in range(NCH - NCH % NBUF, NCH):
            step(ch, ch % NBUF)

        plsc.subcore_barrier()
        pltpu.sync_copy(shared.at[pl.ds(s * STRIPE, STRIPE)],
                        out_hbm.at[c, pl.ds(s * STRIPE, STRIPE),
                                   pl.ds(p * QC, QC)])


_BR = 1000


def _mm_body(d_ref, x_ref, w_ref, o_ref):
    h = jnp.dot(x_ref[...], w_ref[...])
    rs = lax.rsqrt(jnp.maximum(d_ref[0], 1.0))
    h = h * rs
    o_ref[0] = h[:, :2 * QC]
    o_ref[1] = h[:, 2 * QC:]


_matmul_prescale = pl.pallas_call(
    _mm_body,
    grid=(N // _BR,),
    in_specs=[
        pl.BlockSpec((1, _BR, 1), lambda i: (0, i, 0)),
        pl.BlockSpec((_BR, F), lambda i: (i, 0)),
        pl.BlockSpec((F, F), lambda i: (0, 0)),
    ],
    out_specs=pl.BlockSpec((2, _BR, 2 * QC), lambda i: (0, i, 0)),
    out_shape=jax.ShapeDtypeStruct((2, N, 2 * QC), jnp.float32),
)


def _post_body(a_ref, d_ref, o_ref):
    rs = lax.rsqrt(jnp.maximum(d_ref[0], 1.0))
    for ci in range(2):
        for p2 in range(2):
            q = 2 * ci + p2
            o_ref[:, q * QC:(q + 1) * QC] = (
                a_ref[ci][:, p2 * QC:(p2 + 1) * QC] * rs)


_postscale = pl.pallas_call(
    _post_body,
    grid=(N // _BR,),
    in_specs=[
        pl.BlockSpec((2, _BR, 2 * QC), lambda i: (0, i, 0)),
        pl.BlockSpec((1, _BR, 1), lambda i: (1, i, 0)),
    ],
    out_specs=pl.BlockSpec((_BR, F), lambda i: (i, 0)),
    out_shape=jax.ShapeDtypeStruct((N, F), jnp.float32),
)


def kernel(features, edge_index, weight):
    edge_r = edge_index.reshape(2, NS, NCH, CHUNK)
    ones1 = jnp.ones((128,), jnp.float32)
    zeros1 = jnp.zeros((STRIPE,), jnp.float32)
    zeros2 = jnp.zeros((STRIPE, QC), jnp.float32)

    deg = _degrees(edge_r, ones1, zeros1)
    deg3 = deg.reshape(2, N_PAD, 1)

    h2 = _matmul_prescale(deg3, features, weight)
    hq_rows = h2.reshape(NQ * N, QC)

    acc = _spmm(hq_rows, edge_r, zeros2)
    return _postscale(acc, deg3)

# --- scband reference (transcript-rebuilt; emitter-appended) ---
"""Pipeline reference for scband-gcnlayer-48928267436264 (READ-ONLY COPY).

The authoritative reference and input builder live on the scoring server;
editing this copy changes nothing except your own understanding.
"""

import jax, jax.numpy as jnp
import numpy as np

N = 10000
E = 160000
IN_FEATS = 256
OUT_FEATS = 256


def setup_inputs(seed: int = 0) -> dict:
    key = jax.random.key(seed)
    k1, k2, k3 = jax.random.split(key, 3)
    features = jax.random.normal(k1, (N, IN_FEATS), dtype=jnp.float32)
    edge_index = jax.random.randint(k2, (2, E), 0, N, dtype=jnp.int32)
    # xavier_uniform init for weight [in_feats, out_feats]
    limit = float(np.sqrt(6.0 / (IN_FEATS + OUT_FEATS)))
    weight = jax.random.uniform(k3, (IN_FEATS, OUT_FEATS), dtype=jnp.float32,
                                minval=-limit, maxval=limit)
    return {"features": features, "edge_index": edge_index, "weight": weight}


def reference(features, edge_index, weight):
    # h = features @ W
    h = jnp.dot(features, weight)
    src = edge_index[0]
    dst = edge_index[1]
    # gspmmv: sparse adjacency (dst <- src) matmul with symmetric GCN normalization
    ones = jnp.ones((E,), dtype=jnp.float32)
    deg_out = jax.ops.segment_sum(ones, src, num_segments=N)
    deg_in = jax.ops.segment_sum(ones, dst, num_segments=N)
    deg_out = jnp.maximum(deg_out, 1.0)
    deg_in = jnp.maximum(deg_in, 1.0)
    coef = jax.lax.rsqrt(deg_out[src]) * jax.lax.rsqrt(deg_in[dst])
    msg = h[src] * coef[:, None]
    out = jax.ops.segment_sum(msg, dst, num_segments=N)
    return out

if __name__ == "__main__":
    import jax
    _d = setup_inputs()
    print(jax.jit(kernel)(*tuple(_d.values())))

</pallas_src>

<mosaic_0001>
#map = affine_map<(d0, d1) -> (0, 0, 0, 0)>
#map1 = affine_map<(d0, d1) -> (0)>
#map2 = affine_map<(d0, d1) -> (0, 0)>
module attributes {stable_mosaic.version = 14 : i64} {
  func.func @_degrees(%arg0: i32, %arg1: i32, %arg2: memref<2x16x125x80xi32, #tpu.memory_space<hbm>>, %arg3: memref<128xf32, #tpu.memory_space<hbm>>, %arg4: memref<640xf32, #tpu.memory_space<hbm>>, %arg5: memref<2x10240xf32, #tpu.memory_space<hbm>>, %arg6: memref<125x80xi32, #tpu.memory_space<vmem>>, %arg7: memref<128xf32, #tpu.memory_space<vmem>>, %arg8: memref<10240xf32, #tpu.memory_space<vmem_shared>>, %arg9: memref<!tpu.dma_semaphore, #tpu.memory_space<semaphore_mem>>) attributes {dimension_semantics = [#tpu.dimension_semantics<core_parallel>, #tpu.dimension_semantics<subcore_parallel>], iteration_bounds = array<i64: 2, 16>, scalar_prefetch = 0 : i64, scratch_operands = 4 : i64, tpu.core_type = #tpu.core_type<sc_vector_subcore>, window_params = [{transform_indices = #map}, {transform_indices = #map1}, {transform_indices = #map1}, {transform_indices = #map2}]} {
    "tpu.region"() ({
      %run_scoped3A = tpu.sem_alloc : memref<!tpu.dma_semaphore, #tpu.memory_space<semaphore_mem>>
      %dma_start3A = arith.constant 0 : i32
      %dma_start3A_15 = arith.constant 0 : i32
      %dma_start3A_16 = tpu.memref_slice %arg2[%arg0, %arg1, %dma_start3A, %dma_start3A_15] : memref<2x16x125x80xi32, #tpu.memory_space<hbm>> -> memref<1x1x125x80xi32, #tpu.memory_space<hbm>>
      %dma_start3A_17 = tpu.memref_squeeze %dma_start3A_16 : memref<1x1x125x80xi32, #tpu.memory_space<hbm>> -> memref<125x80xi32, #tpu.memory_space<hbm>>
      %dma_start3A_18 = arith.constant 0 : i32
      %dma_start3A_19 = arith.constant 0 : i32
      %dma_start3A_20 = tpu.memref_slice %arg2[%arg0, %arg1, %dma_start3A_18, %dma_start3A_19] : memref<2x16x125x80xi32, #tpu.memory_space<hbm>> -> memref<1x1x125x80xi32, #tpu.memory_space<hbm>>
      %dma_start3A_21 = tpu.memref_squeeze %dma_start3A_20 : memref<1x1x125x80xi32, #tpu.memory_space<hbm>> -> memref<125x80xi32, #tpu.memory_space<hbm>>
      tpu.enqueue_dma source(%dma_start3A_21 : memref<125x80xi32, #tpu.memory_space<hbm>>) target(%arg6 : memref<125x80xi32, #tpu.memory_space<vmem>>) target_semaphore(%run_scoped3A : memref<!tpu.dma_semaphore, #tpu.memory_space<semaphore_mem>>)
      %dma_wait3A = arith.constant 0 : i32
      %dma_wait3A_22 = arith.constant 0 : i32
      %dma_wait3A_23 = tpu.memref_slice %arg2[%arg0, %arg1, %dma_wait3A, %dma_wait3A_22] : memref<2x16x125x80xi32, #tpu.memory_space<hbm>> -> memref<1x1x125x80xi32, #tpu.memory_space<hbm>>
      %dma_wait3A_24 = tpu.memref_squeeze %dma_wait3A_23 : memref<1x1x125x80xi32, #tpu.memory_space<hbm>> -> memref<125x80xi32, #tpu.memory_space<hbm>>
      %dma_wait3A_25 = arith.constant 0 : i32
      %dma_wait3A_26 = arith.constant 0 : i32
      %dma_wait3A_27 = tpu.memref_slice %arg2[%arg0, %arg1, %dma_wait3A_25, %dma_wait3A_26] : memref<2x16x125x80xi32, #tpu.memory_space<hbm>> -> memref<1x1x125x80xi32, #tpu.memory_space<hbm>>
      %dma_wait3A_28 = tpu.memref_squeeze %dma_wait3A_27 : memref<1x1x125x80xi32, #tpu.memory_space<hbm>> -> memref<125x80xi32, #tpu.memory_space<hbm>>
      tpu.wait_dma2 semaphore(%run_scoped3A : memref<!tpu.dma_semaphore, #tpu.memory_space<semaphore_mem>>) src(%dma_wait3A_28 : memref<125x80xi32, #tpu.memory_space<hbm>>) dst(%arg6 : memref<125x80xi32, #tpu.memory_space<vmem>>)
      tpu.yield
    }) : () -> ()
    "tpu.region"() ({
      %run_scoped3A = tpu.sem_alloc : memref<!tpu.dma_semaphore, #tpu.memory_space<semaphore_mem>>
      tpu.enqueue_dma source(%arg3 : memref<128xf32, #tpu.memory_space<hbm>>) target(%arg7 : memref<128xf32, #tpu.memory_space<vmem>>) target_semaphore(%run_scoped3A : memref<!tpu.dma_semaphore, #tpu.memory_space<semaphore_mem>>)
      tpu.wait_dma2 semaphore(%run_scoped3A : memref<!tpu.dma_semaphore, #tpu.memory_space<semaphore_mem>>) src(%arg3 : memref<128xf32, #tpu.memory_space<hbm>>) dst(%arg7 : memref<128xf32, #tpu.memory_space<vmem>>)
      tpu.yield
    }) : () -> ()
    %mul3A = arith.constant 640 : i32
    %mul3A_0 = arith.muli %arg1, %mul3A : i32
    "tpu.region"() ({
      %run_scoped3A = tpu.sem_alloc : memref<!tpu.dma_semaphore, #tpu.memory_space<semaphore_mem>>
      %dma_start3A = tpu.memref_slice %arg8[%mul3A_0] : memref<10240xf32, #tpu.memory_space<vmem_shared>> -> memref<640xf32, #tpu.memory_space<vmem_shared>>
      tpu.enqueue_dma source(%arg4 : memref<640xf32, #tpu.memory_space<hbm>>) target(%dma_start3A : memref<640xf32, #tpu.memory_space<vmem_shared>>) target_semaphore(%run_scoped3A : memref<!tpu.dma_semaphore, #tpu.memory_space<semaphore_mem>>)
      %dma_wait3A = tpu.memref_slice %arg8[%mul3A_0] : memref<10240xf32, #tpu.memory_space<vmem_shared>> -> memref<640xf32, #tpu.memory_space<vmem_shared>>
      tpu.wait_dma2 semaphore(%run_scoped3A : memref<!tpu.dma_semaphore, #tpu.memory_space<semaphore_mem>>) src(%arg4 : memref<640xf32, #tpu.memory_space<hbm>>) dst(%dma_wait3A : memref<640xf32, #tpu.memory_space<vmem_shared>>)
      tpu.yield
    }) : () -> ()
    %barrier3A = arith.constant 0 : index
    tpu.barrier barrier_id(%barrier3A)
    %scan3A = arith.constant 0 : i32
    %scan3A_1 = arith.constant 125 : i32
    %scan3A_2 = arith.addi %scan3A, %scan3A_1 : i32
    %scan3A_3 = arith.constant 1 : i32
    scf.for %scan3A_15 = %scan3A to %scan3A_2 step %scan3A_3  : i32 {
      %mul3A_16 = arith.constant 1 : i32
      %mul3A_17 = arith.muli %scan3A_15, %mul3A_16 : i32
      %add3A = arith.constant 0 : i32
      %add3A_18 = arith.addi %add3A, %mul3A_17 : i32
      %dma_start3A = arith.constant 0 : i32
      %dma_start3A_19 = tpu.memref_slice %arg7[%dma_start3A] : memref<128xf32, #tpu.memory_space<vmem>> -> memref<80xf32, #tpu.memory_space<vmem>>
      %dma_start3A_20 = arith.constant 0 : i32
      %dma_start3A_21 = tpu.memref_slice %arg6[%add3A_18, %dma_start3A_20] : memref<125x80xi32, #tpu.memory_space<vmem>> -> memref<1x80xi32, #tpu.memory_space<vmem>>
      %dma_start3A_22 = tpu.memref_squeeze %dma_start3A_21 : memref<1x80xi32, #tpu.memory_space<vmem>> -> memref<80xi32, #tpu.memory_space<vmem>>
      %dma_start3A_23 = arith.constant 0 : i32
      %dma_start3A_24 = tpu.memref_slice %arg8[%dma_start3A_23] : memref<10240xf32, #tpu.memory_space<vmem_shared>> -> memref<10240xf32, #tpu.memory_space<vmem_shared>>
      tpu.enqueue_indirect_dma source(%dma_start3A_19 : memref<80xf32, #tpu.memory_space<vmem>>) target(%dma_start3A_24 : memref<10240xf32, #tpu.memory_space<vmem_shared>>) offsets(%dma_start3A_22 : memref<80xi32, #tpu.memory_space<vmem>>) semaphore(%arg9 : memref<!tpu.dma_semaphore, #tpu.memory_space<semaphore_mem>>) {add = true}
    }
    %scan3A_4 = arith.constant 125 : i32
    %scan3A_5 = arith.constant 0 : i32
    %scan3A_6 = arith.constant 125 : i32
    %scan3A_7 = arith.addi %scan3A_5, %scan3A_6 : i32
    %scan3A_8 = arith.constant 1 : i32
    scf.for %scan3A_15 = %scan3A_5 to %scan3A_7 step %scan3A_8  : i32 {
      %mul3A_16 = arith.constant 1 : i32
      %mul3A_17 = arith.muli %scan3A_15, %mul3A_16 : i32
      %add3A = arith.constant 0 : i32
      %add3A_18 = arith.addi %add3A, %mul3A_17 : i32
      %dma_wait3A = arith.constant 0 : i32
      %dma_wait3A_19 = arith.constant 0 : i32
      %dma_wait3A_20 = tpu.memref_slice %arg7[%dma_wait3A_19] : memref<128xf32, #tpu.memory_space<vmem>> -> memref<80xf32, #tpu.memory_space<vmem>>
      %dma_wait3A_21 = arith.constant 0 : i32
      %dma_wait3A_22 = tpu.memref_slice %arg6[%dma_wait3A, %dma_wait3A_21] : memref<125x80xi32, #tpu.memory_space<vmem>> -> memref<1x80xi32, #tpu.memory_space<vmem>>
      %dma_wait3A_23 = tpu.memref_squeeze %dma_wait3A_22 : memref<1x80xi32, #tpu.memory_space<vmem>> -> memref<80xi32, #tpu.memory_space<vmem>>
      %dma_wait3A_24 = arith.constant 0 : i32
      %dma_wait3A_25 = tpu.memref_slice %arg8[%dma_wait3A_24] : memref<10240xf32, #tpu.memory_space<vmem_shared>> -> memref<10240xf32, #tpu.memory_space<vmem_shared>>
      tpu.wait_indirect_dma semaphore(%arg9 : memref<!tpu.dma_semaphore, #tpu.memory_space<semaphore_mem>>) src(%dma_wait3A_20 : memref<80xf32, #tpu.memory_space<vmem>>) dst(%dma_wait3A_25 : memref<10240xf32, #tpu.memory_space<vmem_shared>>)
    }
    %scan3A_9 = arith.constant 125 : i32
    %barrier3A_10 = arith.constant 0 : index
    tpu.barrier barrier_id(%barrier3A_10)
    %mul3A_11 = arith.constant 640 : i32
    %mul3A_12 = arith.muli %arg1, %mul3A_11 : i32
    %mul3A_13 = arith.constant 640 : i32
    %mul3A_14 = arith.muli %arg1, %mul3A_13 : i32
    "tpu.region"() ({
      %run_scoped3A = tpu.sem_alloc : memref<!tpu.dma_semaphore, #tpu.memory_space<semaphore_mem>>
      %dma_start3A = tpu.memref_slice %arg5[%arg0, %mul3A_14] : memref<2x10240xf32, #tpu.memory_space<hbm>> -> memref<1x640xf32, #tpu.memory_space<hbm>>
      %dma_start3A_15 = tpu.memref_squeeze %dma_start3A : memref<1x640xf32, #tpu.memory_space<hbm>> -> memref<640xf32, #tpu.memory_space<hbm>>
      %dma_start3A_16 = tpu.memref_slice %arg8[%mul3A_12] : memref<10240xf32, #tpu.memory_space<vmem_shared>> -> memref<640xf32, #tpu.memory_space<vmem_shared>>
      tpu.enqueue_dma source(%dma_start3A_16 : memref<640xf32, #tpu.memory_space<vmem_shared>>) target(%dma_start3A_15 : memref<640xf32, #tpu.memory_space<hbm>>) target_semaphore(%run_scoped3A : memref<!tpu.dma_semaphore, #tpu.memory_space<semaphore_mem>>)
      %dma_wait3A = tpu.memref_slice %arg5[%arg0, %mul3A_14] : memref<2x10240xf32, #tpu.memory_space<hbm>> -> memref<1x640xf32, #tpu.memory_space<hbm>>
      %dma_wait3A_17 = tpu.memref_squeeze %dma_wait3A : memref<1x640xf32, #tpu.memory_space<hbm>> -> memref<640xf32, #tpu.memory_space<hbm>>
      %dma_wait3A_18 = tpu.memref_slice %arg8[%mul3A_12] : memref<10240xf32, #tpu.memory_space<vmem_shared>> -> memref<640xf32, #tpu.memory_space<vmem_shared>>
      tpu.wait_dma2 semaphore(%run_scoped3A : memref<!tpu.dma_semaphore, #tpu.memory_space<semaphore_mem>>) src(%dma_wait3A_18 : memref<640xf32, #tpu.memory_space<vmem_shared>>) dst(%dma_wait3A_17 : memref<640xf32, #tpu.memory_space<hbm>>)
      tpu.yield
    }) : () -> ()
    return
  }
}

#map = affine_map<(d0, d1) -> (0, 0)>
#map1 = affine_map<(d0, d1) -> (0, 0, 0, 0)>
#map2 = affine_map<(d0, d1) -> (0, 0, 0)>
module attributes {stable_mosaic.version = 14 : i64} {
  func.func @_spmm(%arg0: i32, %arg1: i32, %arg2: memref<40000x64xf32, #tpu.memory_space<hbm>>, %arg3: memref<2x16x125x80xi32, #tpu.memory_space<hbm>>, %arg4: memref<640x64xf32, #tpu.memory_space<hbm>>, %arg5: memref<2x10240x128xf32, #tpu.memory_space<hbm>>, %arg6: memref<125x80xi32, #tpu.memory_space<vmem>>, %arg7: memref<125x80xi32, #tpu.memory_space<vmem>>, %arg8: memref<80x64xf32, #tpu.memory_space<vmem>>, %arg9: memref<80x64xf32, #tpu.memory_space<vmem>>, %arg10: memref<80x64xf32, #tpu.memory_space<vmem>>, %arg11: memref<80x64xf32, #tpu.memory_space<vmem>>, %arg12: memref<80x64xf32, #tpu.memory_space<vmem>>, %arg13: memref<10240x64xf32, #tpu.memory_space<vmem_shared>>, %arg14: memref<!tpu.dma_semaphore, #tpu.memory_space<semaphore_mem>>) attributes {dimension_semantics = [#tpu.dimension_semantics<core_parallel>, #tpu.dimension_semantics<subcore_parallel>], iteration_bounds = array<i64: 2, 16>, scalar_prefetch = 0 : i64, scratch_operands = 9 : i64, tpu.core_type = #tpu.core_type<sc_vector_subcore>, window_params = [{transform_indices = #map}, {transform_indices = #map1}, {transform_indices = #map}, {transform_indices = #map2}]} {
    %run_scoped3A = arith.constant 0 : i32
    "tpu.region"() ({
      %run_scoped3A_93 = tpu.sem_alloc : memref<!tpu.dma_semaphore, #tpu.memory_space<semaphore_mem>>
      %dma_start3A_94 = arith.constant 0 : i32
      %dma_start3A_95 = arith.constant 0 : i32
      %dma_start3A_96 = tpu.memref_slice %arg3[%run_scoped3A, %arg1, %dma_start3A_94, %dma_start3A_95] : memref<2x16x125x80xi32, #tpu.memory_space<hbm>> -> memref<1x1x125x80xi32, #tpu.memory_space<hbm>>
      %dma_start3A_97 = tpu.memref_squeeze %dma_start3A_96 : memref<1x1x125x80xi32, #tpu.memory_space<hbm>> -> memref<125x80xi32, #tpu.memory_space<hbm>>
      %dma_start3A_98 = arith.constant 0 : i32
      %dma_start3A_99 = arith.constant 0 : i32
      %dma_start3A_100 = tpu.memref_slice %arg3[%run_scoped3A, %arg1, %dma_start3A_98, %dma_start3A_99] : memref<2x16x125x80xi32, #tpu.memory_space<hbm>> -> memref<1x1x125x80xi32, #tpu.memory_space<hbm>>
      %dma_start3A_101 = tpu.memref_squeeze %dma_start3A_100 : memref<1x1x125x80xi32, #tpu.memory_space<hbm>> -> memref<125x80xi32, #tpu.memory_space<hbm>>
      tpu.enqueue_dma source(%dma_start3A_101 : memref<125x80xi32, #tpu.memory_space<hbm>>) target(%arg6 : memref<125x80xi32, #tpu.memory_space<vmem>>) target_semaphore(%run_scoped3A_93 : memref<!tpu.dma_semaphore, #tpu.memory_space<semaphore_mem>>)
      %dma_wait3A = arith.constant 0 : i32
      %dma_wait3A_102 = arith.constant 0 : i32
      %dma_wait3A_103 = tpu.memref_slice %arg3[%run_scoped3A, %arg1, %dma_wait3A, %dma_wait3A_102] : memref<2x16x125x80xi32, #tpu.memory_space<hbm>> -> memref<1x1x125x80xi32, #tpu.memory_space<hbm>>
      %dma_wait3A_104 = tpu.memref_squeeze %dma_wait3A_103 : memref<1x1x125x80xi32, #tpu.memory_space<hbm>> -> memref<125x80xi32, #tpu.memory_space<hbm>>
      %dma_wait3A_105 = arith.constant 0 : i32
      %dma_wait3A_106 = arith.constant 0 : i32
      %dma_wait3A_107 = tpu.memref_slice %arg3[%run_scoped3A, %arg1, %dma_wait3A_105, %dma_wait3A_106] : memref<2x16x125x80xi32, #tpu.memory_space<hbm>> -> memref<1x1x125x80xi32, #tpu.memory_space<hbm>>
      %dma_wait3A_108 = tpu.memref_squeeze %dma_wait3A_107 : memref<1x1x125x80xi32, #tpu.memory_space<hbm>> -> memref<125x80xi32, #tpu.memory_space<hbm>>
      tpu.wait_dma2 semaphore(%run_scoped3A_93 : memref<!tpu.dma_semaphore, #tpu.memory_space<semaphore_mem>>) src(%dma_wait3A_108 : memref<125x80xi32, #tpu.memory_space<hbm>>) dst(%arg6 : memref<125x80xi32, #tpu.memory_space<vmem>>)
      tpu.yield
    }) : () -> ()
    %run_scoped3A_0 = arith.constant 1 : i32
    "tpu.region"() ({
      %run_scoped3A_93 = tpu.sem_alloc : memref<!tpu.dma_semaphore, #tpu.memory_space<semaphore_mem>>
      %dma_start3A_94 = arith.constant 0 : i32
      %dma_start3A_95 = arith.constant 0 : i32
      %dma_start3A_96 = tpu.memref_slice %arg3[%run_scoped3A_0, %arg1, %dma_start3A_94, %dma_start3A_95] : memref<2x16x125x80xi32, #tpu.memory_space<hbm>> -> memref<1x1x125x80xi32, #tpu.memory_space<hbm>>
      %dma_start3A_97 = tpu.memref_squeeze %dma_start3A_96 : memref<1x1x125x80xi32, #tpu.memory_space<hbm>> -> memref<125x80xi32, #tpu.memory_space<hbm>>
      %dma_start3A_98 = arith.constant 0 : i32
      %dma_start3A_99 = arith.constant 0 : i32
      %dma_start3A_100 = tpu.memref_slice %arg3[%run_scoped3A_0, %arg1, %dma_start3A_98, %dma_start3A_99] : memref<2x16x125x80xi32, #tpu.memory_space<hbm>> -> memref<1x1x125x80xi32, #tpu.memory_space<hbm>>
      %dma_start3A_101 = tpu.memref_squeeze %dma_start3A_100 : memref<1x1x125x80xi32, #tpu.memory_space<hbm>> -> memref<125x80xi32, #tpu.memory_space<hbm>>
      tpu.enqueue_dma source(%dma_start3A_101 : memref<125x80xi32, #tpu.memory_space<hbm>>) target(%arg7 : memref<125x80xi32, #tpu.memory_space<vmem>>) target_semaphore(%run_scoped3A_93 : memref<!tpu.dma_semaphore, #tpu.memory_space<semaphore_mem>>)
      %dma_wait3A = arith.constant 0 : i32
      %dma_wait3A_102 = arith.constant 0 : i32
      %dma_wait3A_103 = tpu.memref_slice %arg3[%run_scoped3A_0, %arg1, %dma_wait3A, %dma_wait3A_102] : memref<2x16x125x80xi32, #tpu.memory_space<hbm>> -> memref<1x1x125x80xi32, #tpu.memory_space<hbm>>
      %dma_wait3A_104 = tpu.memref_squeeze %dma_wait3A_103 : memref<1x1x125x80xi32, #tpu.memory_space<hbm>> -> memref<125x80xi32, #tpu.memory_space<hbm>>
      %dma_wait3A_105 = arith.constant 0 : i32
      %dma_wait3A_106 = arith.constant 0 : i32
      %dma_wait3A_107 = tpu.memref_slice %arg3[%run_scoped3A_0, %arg1, %dma_wait3A_105, %dma_wait3A_106] : memref<2x16x125x80xi32, #tpu.memory_space<hbm>> -> memref<1x1x125x80xi32, #tpu.memory_space<hbm>>
      %dma_wait3A_108 = tpu.memref_squeeze %dma_wait3A_107 : memref<1x1x125x80xi32, #tpu.memory_space<hbm>> -> memref<125x80xi32, #tpu.memory_space<hbm>>
      tpu.wait_dma2 semaphore(%run_scoped3A_93 : memref<!tpu.dma_semaphore, #tpu.memory_space<semaphore_mem>>) src(%dma_wait3A_108 : memref<125x80xi32, #tpu.memory_space<hbm>>) dst(%arg7 : memref<125x80xi32, #tpu.memory_space<vmem>>)
      tpu.yield
    }) : () -> ()
    %mul3A = arith.constant 20000 : i32
    %mul3A_1 = arith.muli %arg0, %mul3A : i32
    %broadcast_in_dim3A = vector.broadcast %mul3A_1 : i32 to vector<16xi32>
    %scan3A = arith.constant 0 : i32
    %scan3A_2 = arith.constant 125 : i32
    %scan3A_3 = arith.addi %scan3A, %scan3A_2 : i32
    %scan3A_4 = arith.constant 1 : i32
    scf.for %scan3A_93 = %scan3A to %scan3A_3 step %scan3A_4  : i32 {
      %mul3A_94 = arith.constant 1 : i32
      %mul3A_95 = arith.muli %scan3A_93, %mul3A_94 : i32
      %add3A = arith.constant 0 : i32
      %add3A_96 = arith.addi %add3A, %mul3A_95 : i32
      %get3A = arith.index_cast %add3A_96 : i32 to index
      %get3A_97 = arith.constant 0 : index
      %get3A_98 = tpu.vector_load %arg6[%get3A, %get3A_97] {strides = array<i32>} : memref<125x80xi32, #tpu.memory_space<vmem>>, vector<1x16xi32>,
      %get3A_99 = vector.shape_cast %get3A_98 : vector<1x16xi32> to vector<16xi32>
      %add3A_100 = arith.addi %get3A_99, %get3A_99 : vector<16xi32>
      %add3A_101 = arith.addi %add3A_100, %broadcast_in_dim3A : vector<16xi32>
      %swap3A = arith.index_cast %add3A_96 : i32 to index
      %swap3A_102 = arith.constant 0 : index
      %swap3A_103 = tpu.vector_load %arg6[%swap3A, %swap3A_102] {strides = array<i32>} : memref<125x80xi32, #tpu.memory_space<vmem>>, vector<1x16xi32>,
      %swap3A_104 = vector.shape_cast %swap3A_103 : vector<1x16xi32> to vector<16xi32>
      %swap3A_105 = vector.shape_cast %add3A_101 : vector<16xi32> to vector<1x16xi32>
      tpu.vector_store %arg6[%swap3A, %swap3A_102], %swap3A_105 {strides = array<i32>} : memref<125x80xi32, #tpu.memory_space<vmem>>, vector<1x16xi32>,
      %get3A_106 = arith.index_cast %add3A_96 : i32 to index
      %get3A_107 = arith.constant 16 : index
      %get3A_108 = tpu.vector_load %arg6[%get3A_106, %get3A_107] {strides = array<i32>} : memref<125x80xi32, #tpu.memory_space<vmem>>, vector<1x16xi32>,
      %get3A_109 = vector.shape_cast %get3A_108 : vector<1x16xi32> to vector<16xi32>
      %add3A_110 = arith.addi %get3A_109, %get3A_109 : vector<16xi32>
      %add3A_111 = arith.addi %add3A_110, %broadcast_in_dim3A : vector<16xi32>
      %swap3A_112 = arith.index_cast %add3A_96 : i32 to index
      %swap3A_113 = arith.constant 16 : index
      %swap3A_114 = tpu.vector_load %arg6[%swap3A_112, %swap3A_113] {strides = array<i32>} : memref<125x80xi32, #tpu.memory_space<vmem>>, vector<1x16xi32>,
      %swap3A_115 = vector.shape_cast %swap3A_114 : vector<1x16xi32> to vector<16xi32>
      %swap3A_116 = vector.shape_cast %add3A_111 : vector<16xi32> to vector<1x16xi32>
      tpu.vector_store %arg6[%swap3A_112, %swap3A_113], %swap3A_116 {strides = array<i32>} : memref<125x80xi32, #tpu.memory_space<vmem>>, vector<1x16xi32>,
      %get3A_117 = arith.index_cast %add3A_96 : i32 to index
      %get3A_118 = arith.constant 32 : index
      %get3A_119 = tpu.vector_load %arg6[%get3A_117, %get3A_118] {strides = array<i32>} : memref<125x80xi32, #tpu.memory_space<vmem>>, vector<1x16xi32>,
      %get3A_120 = vector.shape_cast %get3A_119 : vector<1x16xi32> to vector<16xi32>
      %add3A_121 = arith.addi %get3A_120, %get3A_120 : vector<16xi32>
      %add3A_122 = arith.addi %add3A_121, %broadcast_in_dim3A : vector<16xi32>
      %swap3A_123 = arith.index_cast %add3A_96 : i32 to index
      %swap3A_124 = arith.constant 32 : index
      %swap3A_125 = tpu.vector_load %arg6[%swap3A_123, %swap3A_124] {strides = array<i32>} : memref<125x80xi32, #tpu.memory_space<vmem>>, vector<1x16xi32>,
      %swap3A_126 = vector.shape_cast %swap3A_125 : vector<1x16xi32> to vector<16xi32>
      %swap3A_127 = vector.shape_cast %add3A_122 : vector<16xi32> to vector<1x16xi32>
      tpu.vector_store %arg6[%swap3A_123, %swap3A_124], %swap3A_127 {strides = array<i32>} : memref<125x80xi32, #tpu.memory_space<vmem>>, vector<1x16xi32>,
      %get3A_128 = arith.index_cast %add3A_96 : i32 to index
      %get3A_129 = arith.constant 48 : index
      %get3A_130 = tpu.vector_load %arg6[%get3A_128, %get3A_129] {strides = array<i32>} : memref<125x80xi32, #tpu.memory_space<vmem>>, vector<1x16xi32>,
      %get3A_131 = vector.shape_cast %get3A_130 : vector<1x16xi32> to vector<16xi32>
      %add3A_132 = arith.addi %get3A_131, %get3A_131 : vector<16xi32>
      %add3A_133 = arith.addi %add3A_132, %broadcast_in_dim3A : vector<16xi32>
      %swap3A_134 = arith.index_cast %add3A_96 : i32 to index
      %swap3A_135 = arith.constant 48 : index
      %swap3A_136 = tpu.vector_load %arg6[%swap3A_134, %swap3A_135] {strides = array<i32>} : memref<125x80xi32, #tpu.memory_space<vmem>>, vector<1x16xi32>,
      %swap3A_137 = vector.shape_cast %swap3A_136 : vector<1x16xi32> to vector<16xi32>
      %swap3A_138 = vector.shape_cast %add3A_133 : vector<16xi32> to vector<1x16xi32>
      tpu.vector_store %arg6[%swap3A_134, %swap3A_135], %swap3A_138 {strides = array<i32>} : memref<125x80xi32, #tpu.memory_space<vmem>>, vector<1x16xi32>,
      %get3A_139 = arith.index_cast %add3A_96 : i32 to index
      %get3A_140 = arith.constant 64 : index
      %get3A_141 = tpu.vector_load %arg6[%get3A_139, %get3A_140] {strides = array<i32>} : memref<125x80xi32, #tpu.memory_space<vmem>>, vector<1x16xi32>,
      %get3A_142 = vector.shape_cast %get3A_141 : vector<1x16xi32> to vector<16xi32>
      %add3A_143 = arith.addi %get3A_142, %get3A_142 : vector<16xi32>
      %add3A_144 = arith.addi %add3A_143, %broadcast_in_dim3A : vector<16xi32>
      %swap3A_145 = arith.index_cast %add3A_96 : i32 to index
      %swap3A_146 = arith.constant 64 : index
      %swap3A_147 = tpu.vector_load %arg6[%swap3A_145, %swap3A_146] {strides = array<i32>} : memref<125x80xi32, #tpu.memory_space<vmem>>, vector<1x16xi32>,
      %swap3A_148 = vector.shape_cast %swap3A_147 : vector<1x16xi32> to vector<16xi32>
      %swap3A_149 = vector.shape_cast %add3A_144 : vector<16xi32> to vector<1x16xi32>
      tpu.vector_store %arg6[%swap3A_145, %swap3A_146], %swap3A_149 {strides = array<i32>} : memref<125x80xi32, #tpu.memory_space<vmem>>, vector<1x16xi32>,
    }
    %scan3A_5 = arith.constant 125 : i32
    %mul3A_6 = arith.constant 640 : i32
    %mul3A_7 = arith.muli %arg1, %mul3A_6 : i32
    "tpu.region"() ({
      %run_scoped3A_93 = tpu.sem_alloc : memref<!tpu.dma_semaphore, #tpu.memory_space<semaphore_mem>>
      %dma_start3A_94 = arith.constant 0 : i32
      %dma_start3A_95 = tpu.memref_slice %arg13[%mul3A_7, %dma_start3A_94] : memref<10240x64xf32, #tpu.memory_space<vmem_shared>> -> memref<640x64xf32, #tpu.memory_space<vmem_shared>>
      tpu.enqueue_dma source(%arg4 : memref<640x64xf32, #tpu.memory_space<hbm>>) target(%dma_start3A_95 : memref<640x64xf32, #tpu.memory_space<vmem_shared>>) target_semaphore(%run_scoped3A_93 : memref<!tpu.dma_semaphore, #tpu.memory_space<semaphore_mem>>)
      %dma_wait3A = arith.constant 0 : i32
      %dma_wait3A_96 = tpu.memref_slice %arg13[%mul3A_7, %dma_wait3A] : memref<10240x64xf32, #tpu.memory_space<vmem_shared>> -> memref<640x64xf32, #tpu.memory_space<vmem_shared>>
      tpu.wait_dma2 semaphore(%run_scoped3A_93 : memref<!tpu.dma_semaphore, #tpu.memory_space<semaphore_mem>>) src(%arg4 : memref<640x64xf32, #tpu.memory_space<hbm>>) dst(%dma_wait3A_96 : memref<640x64xf32, #tpu.memory_space<vmem_shared>>)
      tpu.yield
    }) : () -> ()
    %barrier3A = arith.constant 0 : index
    tpu.barrier barrier_id(%barrier3A)
    %dma_start3A = arith.constant 0 : i32
    %dma_start3A_8 = arith.constant 0 : i32
    %dma_start3A_9 = tpu.memref_slice %arg6[%dma_start3A, %dma_start3A_8] : memref<125x80xi32, #tpu.memory_space<vmem>> -> memref<1x80xi32, #tpu.memory_space<vmem>>
    %dma_start3A_10 = tpu.memref_squeeze %dma_start3A_9 : memref<1x80xi32, #tpu.memory_space<vmem>> -> memref<80xi32, #tpu.memory_space<vmem>>
    %dma_start3A_11 = arith.constant 0 : i32
    %dma_start3A_12 = arith.constant 0 : i32
    %dma_start3A_13 = tpu.memref_slice %arg2[%dma_start3A_11, %dma_start3A_12] : memref<40000x64xf32, #tpu.memory_space<hbm>> -> memref<40000x64xf32, #tpu.memory_space<hbm>>
    tpu.enqueue_indirect_dma source(%dma_start3A_13 : memref<40000x64xf32, #tpu.memory_space<hbm>>) target(%arg8 : memref<80x64xf32, #tpu.memory_space<vmem>>) offsets(%dma_start3A_10 : memref<80xi32, #tpu.memory_space<vmem>>) semaphore(%arg14 : memref<!tpu.dma_semaphore, #tpu.memory_space<semaphore_mem>>)
    %dma_start3A_14 = arith.constant 1 : i32
    %dma_start3A_15 = arith.constant 0 : i32
    %dma_start3A_16 = tpu.memref_slice %arg6[%dma_start3A_14, %dma_start3A_15] : memref<125x80xi32, #tpu.memory_space<vmem>> -> memref<1x80xi32, #tpu.memory_space<vmem>>
    %dma_start3A_17 = tpu.memref_squeeze %dma_start3A_16 : memref<1x80xi32, #tpu.memory_space<vmem>> -> memref<80xi32, #tpu.memory_space<vmem>>
    %dma_start3A_18 = arith.constant 0 : i32
    %dma_start3A_19 = arith.constant 0 : i32
    %dma_start3A_20 = tpu.memref_slice %arg2[%dma_start3A_18, %dma_start3A_19] : memref<40000x64xf32, #tpu.memory_space<hbm>> -> memref<40000x64xf32, #tpu.memory_space<hbm>>
    tpu.enqueue_indirect_dma source(%dma_start3A_20 : memref<40000x64xf32, #tpu.memory_space<hbm>>) target(%arg9 : memref<80x64xf32, #tpu.memory_space<vmem>>) offsets(%dma_start3A_17 : memref<80xi32, #tpu.memory_space<vmem>>) semaphore(%arg14 : memref<!tpu.dma_semaphore, #tpu.memory_space<semaphore_mem>>)
    %dma_start3A_21 = arith.constant 2 : i32
    %dma_start3A_22 = arith.constant 0 : i32
    %dma_start3A_23 = tpu.memref_slice %arg6[%dma_start3A_21, %dma_start3A_22] : memref<125x80xi32, #tpu.memory_space<vmem>> -> memref<1x80xi32, #tpu.memory_space<vmem>>
    %dma_start3A_24 = tpu.memref_squeeze %dma_start3A_23 : memref<1x80xi32, #tpu.memory_space<vmem>> -> memref<80xi32, #tpu.memory_space<vmem>>
    %dma_start3A_25 = arith.constant 0 : i32
    %dma_start3A_26 = arith.constant 0 : i32
    %dma_start3A_27 = tpu.memref_slice %arg2[%dma_start3A_25, %dma_start3A_26] : memref<40000x64xf32, #tpu.memory_space<hbm>> -> memref<40000x64xf32, #tpu.memory_space<hbm>>
    tpu.enqueue_indirect_dma source(%dma_start3A_27 : memref<40000x64xf32, #tpu.memory_space<hbm>>) target(%arg10 : memref<80x64xf32, #tpu.memory_space<vmem>>) offsets(%dma_start3A_24 : memref<80xi32, #tpu.memory_space<vmem>>) semaphore(%arg14 : memref<!tpu.dma_semaphore, #tpu.memory_space<semaphore_mem>>)
    %dma_start3A_28 = arith.constant 3 : i32
    %dma_start3A_29 = arith.constant 0 : i32
    %dma_start3A_30 = tpu.memref_slice %arg6[%dma_start3A_28, %dma_start3A_29] : memref<125x80xi32, #tpu.memory_space<vmem>> -> memref<1x80xi32, #tpu.memory_space<vmem>>
    %dma_start3A_31 = tpu.memref_squeeze %dma_start3A_30 : memref<1x80xi32, #tpu.memory_space<vmem>> -> memref<80xi32, #tpu.memory_space<vmem>>
    %dma_start3A_32 = arith.constant 0 : i32
    %dma_start3A_33 = arith.constant 0 : i32
    %dma_start3A_34 = tpu.memref_slice %arg2[%dma_start3A_32, %dma_start3A_33] : memref<40000x64xf32, #tpu.memory_space<hbm>> -> memref<40000x64xf32, #tpu.memory_space<hbm>>
    tpu.enqueue_indirect_dma source(%dma_start3A_34 : memref<40000x64xf32, #tpu.memory_space<hbm>>) target(%arg11 : memref<80x64xf32, #tpu.memory_space<vmem>>) offsets(%dma_start3A_31 : memref<80xi32, #tpu.memory_space<vmem>>) semaphore(%arg14 : memref<!tpu.dma_semaphore, #tpu.memory_space<semaphore_mem>>)
    %scan3A_35 = arith.constant 0 : i32
    %scan3A_36 = arith.constant 25 : i32
    %scan3A_37 = arith.addi %scan3A_35, %scan3A_36 : i32
    %scan3A_38 = arith.constant 1 : i32
    scf.for %scan3A_93 = %scan3A_35 to %scan3A_37 step %scan3A_38  : i32 {
      %mul3A_94 = arith.constant 1 : i32
      %mul3A_95 = arith.muli %scan3A_93, %mul3A_94 : i32
      %add3A = arith.constant 0 : i32
      %add3A_96 = arith.addi %add3A, %mul3A_95 : i32
      %mul3A_97 = arith.constant 5 : i32
      %mul3A_98 = arith.muli %add3A_96, %mul3A_97 : i32
      %add3A_99 = arith.constant 0 : i32
      %add3A_100 = arith.addi %mul3A_98, %add3A_99 : i32
      %dma_wait3A = arith.constant 0 : i32
      %dma_wait3A_101 = arith.constant 0 : i32
      %dma_wait3A_102 = tpu.memref_slice %arg6[%dma_wait3A, %dma_wait3A_101] : memref<125x80xi32, #tpu.memory_space<vmem>> -> memref<1x80xi32, #tpu.memory_space<vmem>>
      %dma_wait3A_103 = tpu.memref_squeeze %dma_wait3A_102 : memref<1x80xi32, #tpu.memory_space<vmem>> -> memref<80xi32, #tpu.memory_space<vmem>>
      %dma_wait3A_104 = arith.constant 0 : i32
      %dma_wait3A_105 = arith.constant 0 : i32
      %dma_wait3A_106 = tpu.memref_slice %arg2[%dma_wait3A_104, %dma_wait3A_105] : memref<40000x64xf32, #tpu.memory_space<hbm>> -> memref<40000x64xf32, #tpu.memory_space<hbm>>
      tpu.wait_indirect_dma semaphore(%arg14 : memref<!tpu.dma_semaphore, #tpu.memory_space<semaphore_mem>>) src(%dma_wait3A_106 : memref<40000x64xf32, #tpu.memory_space<hbm>>) dst(%arg8 : memref<80x64xf32, #tpu.memory_space<vmem>>)
      %add3A_107 = arith.constant 5 : i32
      %add3A_108 = arith.addi %add3A_100, %add3A_107 : i32
      %sub3A = arith.constant 1 : i32
      %sub3A_109 = arith.subi %add3A_108, %sub3A : i32
      %lt3A = arith.constant 125 : i32
      %lt3A_110 = arith.cmpi slt, %sub3A_109, %lt3A : i32
      %convert_element_type3A = arith.extui %lt3A_110 : i1 to i32
      %cond3A = arith.constant 0 : i32
      %cond3A_111 = arith.cmpi ne, %convert_element_type3A, %cond3A : i32
      scf.if %cond3A_111 {
        %dma_start3A_192 = arith.constant 0 : i32
        %dma_start3A_193 = tpu.memref_slice %arg6[%sub3A_109, %dma_start3A_192] : memref<125x80xi32, #tpu.memory_space<vmem>> -> memref<1x80xi32, #tpu.memory_space<vmem>>
        %dma_start3A_194 = tpu.memref_squeeze %dma_start3A_193 : memref<1x80xi32, #tpu.memory_space<vmem>> -> memref<80xi32, #tpu.memory_space<vmem>>
        %dma_start3A_195 = arith.constant 0 : i32
        %dma_start3A_196 = arith.constant 0 : i32
        %dma_start3A_197 = tpu.memref_slice %arg2[%dma_start3A_195, %dma_start3A_196] : memref<40000x64xf32, #tpu.memory_space<hbm>> -> memref<40000x64xf32, #tpu.memory_space<hbm>>
        tpu.enqueue_indirect_dma source(%dma_start3A_197 : memref<40000x64xf32, #tpu.memory_space<hbm>>) target(%arg12 : memref<80x64xf32, #tpu.memory_space<vmem>>) offsets(%dma_start3A_194 : memref<80xi32, #tpu.memory_space<vmem>>) semaphore(%arg14 : memref<!tpu.dma_semaphore, #tpu.memory_space<semaphore_mem>>)
      } else {
      }
      "tpu.region"() ({
        %run_scoped3A_192 = tpu.sem_alloc : memref<!tpu.dma_semaphore, #tpu.memory_space<semaphore_mem>>
        %dma_start3A_193 = arith.constant 0 : i32
        %dma_start3A_194 = tpu.memref_slice %arg7[%add3A_100, %dma_start3A_193] : memref<125x80xi32, #tpu.memory_space<vmem>> -> memref<1x80xi32, #tpu.memory_space<vmem>>
        %dma_start3A_195 = tpu.memref_squeeze %dma_start3A_194 : memref<1x80xi32, #tpu.memory_space<vmem>> -> memref<80xi32, #tpu.memory_space<vmem>>
        %dma_start3A_196 = arith.constant 0 : i32
        %dma_start3A_197 = arith.constant 0 : i32
        %dma_start3A_198 = tpu.memref_slice %arg13[%dma_start3A_196, %dma_start3A_197] : memref<10240x64xf32, #tpu.memory_space<vmem_shared>> -> memref<10240x64xf32, #tpu.memory_space<vmem_shared>>
        tpu.enqueue_indirect_dma source(%arg8 : memref<80x64xf32, #tpu.memory_space<vmem>>) target(%dma_start3A_198 : memref<10240x64xf32, #tpu.memory_space<vmem_shared>>) offsets(%dma_start3A_195 : memref<80xi32, #tpu.memory_space<vmem>>) semaphore(%run_scoped3A_192 : memref<!tpu.dma_semaphore, #tpu.memory_space<semaphore_mem>>) {add = true}
        %dma_wait3A_199 = arith.constant 0 : i32
        %dma_wait3A_200 = tpu.memref_slice %arg7[%add3A_100, %dma_wait3A_199] : memref<125x80xi32, #tpu.memory_space<vmem>> -> memref<1x80xi32, #tpu.memory_space<vmem>>
        %dma_wait3A_201 = tpu.memref_squeeze %dma_wait3A_200 : memref<1x80xi32, #tpu.memory_space<vmem>> -> memref<80xi32, #tpu.memory_space<vmem>>
        %dma_wait3A_202 = arith.constant 0 : i32
        %dma_wait3A_203 = arith.constant 0 : i32
        %dma_wait3A_204 = tpu.memref_slice %arg13[%dma_wait3A_202, %dma_wait3A_203] : memref<10240x64xf32, #tpu.memory_space<vmem_shared>> -> memref<10240x64xf32, #tpu.memory_space<vmem_shared>>
        tpu.wait_indirect_dma semaphore(%run_scoped3A_192 : memref<!tpu.dma_semaphore, #tpu.memory_space<semaphore_mem>>) src(%arg8 : memref<80x64xf32, #tpu.memory_space<vmem>>) dst(%dma_wait3A_204 : memref<10240x64xf32, #tpu.memory_space<vmem_shared>>)
        tpu.yield
      }) : () -> ()
      %mul3A_112 = arith.constant 5 : i32
      %mul3A_113 = arith.muli %add3A_96, %mul3A_112 : i32
      %add3A_114 = arith.constant 1 : i32
      %add3A_115 = arith.addi %mul3A_113, %add3A_114 : i32
      %dma_wait3A_116 = arith.constant 0 : i32
      %dma_wait3A_117 = arith.constant 0 : i32
      %dma_wait3A_118 = tpu.memref_slice %arg6[%dma_wait3A_116, %dma_wait3A_117] : memref<125x80xi32, #tpu.memory_space<vmem>> -> memref<1x80xi32, #tpu.memory_space<vmem>>
      %dma_wait3A_119 = tpu.memref_squeeze %dma_wait3A_118 : memref<1x80xi32, #tpu.memory_space<vmem>> -> memref<80xi32, #tpu.memory_space<vmem>>
      %dma_wait3A_120 = arith.constant 0 : i32
      %dma_wait3A_121 = arith.constant 0 : i32
      %dma_wait3A_122 = tpu.memref_slice %arg2[%dma_wait3A_120, %dma_wait3A_121] : memref<40000x64xf32, #tpu.memory_space<hbm>> -> memref<40000x64xf32, #tpu.memory_space<hbm>>
      tpu.wait_indirect_dma semaphore(%arg14 : memref<!tpu.dma_semaphore, #tpu.memory_space<semaphore_mem>>) src(%dma_wait3A_122 : memref<40000x64xf32, #tpu.memory_space<hbm>>) dst(%arg9 : memref<80x64xf32, #tpu.memory_space<vmem>>)
      %add3A_123 = arith.constant 5 : i32
      %add3A_124 = arith.addi %add3A_115, %add3A_123 : i32
      %sub3A_125 = arith.constant 1 : i32
      %sub3A_126 = arith.subi %add3A_124, %sub3A_125 : i32
      %lt3A_127 = arith.constant 125 : i32
      %lt3A_128 = arith.cmpi slt, %sub3A_126, %lt3A_127 : i32
      %convert_element_type3A_129 = arith.extui %lt3A_128 : i1 to i32
      %cond3A_130 = arith.constant 0 : i32
      %cond3A_131 = arith.cmpi ne, %convert_element_type3A_129, %cond3A_130 : i32
      scf.if %cond3A_131 {
        %dma_start3A_192 = arith.constant 0 : i32
        %dma_start3A_193 = tpu.memref_slice %arg6[%sub3A_126, %dma_start3A_192] : memref<125x80xi32, #tpu.memory_space<vmem>> -> memref<1x80xi32, #tpu.memory_space<vmem>>
        %dma_start3A_194 = tpu.memref_squeeze %dma_start3A_193 : memref<1x80xi32, #tpu.memory_space<vmem>> -> memref<80xi32, #tpu.memory_space<vmem>>
        %dma_start3A_195 = arith.constant 0 : i32
        %dma_start3A_196 = arith.constant 0 : i32
        %dma_start3A_197 = tpu.memref_slice %arg2[%dma_start3A_195, %dma_start3A_196] : memref<40000x64xf32, #tpu.memory_space<hbm>> -> memref<40000x64xf32, #tpu.memory_space<hbm>>
        tpu.enqueue_indirect_dma source(%dma_start3A_197 : memref<40000x64xf32, #tpu.memory_space<hbm>>) target(%arg8 : memref<80x64xf32, #tpu.memory_space<vmem>>) offsets(%dma_start3A_194 : memref<80xi32, #tpu.memory_space<vmem>>) semaphore(%arg14 : memref<!tpu.dma_semaphore, #tpu.memory_space<semaphore_mem>>)
      } else {
      }
      "tpu.region"() ({
        %run_scoped3A_192 = tpu.sem_alloc : memref<!tpu.dma_semaphore, #tpu.memory_space<semaphore_mem>>
        %dma_start3A_193 = arith.constant 0 : i32
        %dma_start3A_194 = tpu.memref_slice %arg7[%add3A_115, %dma_start3A_193] : memref<125x80xi32, #tpu.memory_space<vmem>> -> memref<1x80xi32, #tpu.memory_space<vmem>>
        %dma_start3A_195 = tpu.memref_squeeze %dma_start3A_194 : memref<1x80xi32, #tpu.memory_space<vmem>> -> memref<80xi32, #tpu.memory_space<vmem>>
        %dma_start3A_196 = arith.constant 0 : i32
        %dma_start3A_197 = arith.constant 0 : i32
        %dma_start3A_198 = tpu.memref_slice %arg13[%dma_start3A_196, %dma_start3A_197] : memref<10240x64xf32, #tpu.memory_space<vmem_shared>> -> memref<10240x64xf32, #tpu.memory_space<vmem_shared>>
        tpu.enqueue_indirect_dma source(%arg9 : memref<80x64xf32, #tpu.memory_space<vmem>>) target(%dma_start3A_198 : memref<10240x64xf32, #tpu.memory_space<vmem_shared>>) offsets(%dma_start3A_195 : memref<80xi32, #tpu.memory_space<vmem>>) semaphore(%run_scoped3A_192 : memref<!tpu.dma_semaphore, #tpu.memory_space<semaphore_mem>>) {add = true}
        %dma_wait3A_199 = arith.constant 0 : i32
        %dma_wait3A_200 = tpu.memref_slice %arg7[%add3A_115, %dma_wait3A_199] : memref<125x80xi32, #tpu.memory_space<vmem>> -> memref<1x80xi32, #tpu.memory_space<vmem>>
        %dma_wait3A_201 = tpu.memref_squeeze %dma_wait3A_200 : memref<1x80xi32, #tpu.memory_space<vmem>> -> memref<80xi32, #tpu.memory_space<vmem>>
        %dma_wait3A_202 = arith.constant 0 : i32
        %dma_wait3A_203 = arith.constant 0 : i32
        %dma_wait3A_204 = tpu.memref_slice %arg13[%dma_wait3A_202, %dma_wait3A_203] : memref<10240x64xf32, #tpu.memory_space<vmem_shared>> -> memref<10240x64xf32, #tpu.memory_space<vmem_shared>>
        tpu.wait_indirect_dma semaphore(%run_scoped3A_192 : memref<!tpu.dma_semaphore, #tpu.memory_space<semaphore_mem>>) src(%arg9 : memref<80x64xf32, #tpu.memory_space<vmem>>) dst(%dma_wait3A_204 : memref<10240x64xf32, #tpu.memory_space<vmem_shared>>)
        tpu.yield
      }) : () -> ()
      %mul3A_132 = arith.constant 5 : i32
      %mul3A_133 = arith.muli %add3A_96, %mul3A_132 : i32
      %add3A_134 = arith.constant 2 : i32
      %add3A_135 = arith.addi %mul3A_133, %add3A_134 : i32
      %dma_wait3A_136 = arith.constant 0 : i32
      %dma_wait3A_137 = arith.constant 0 : i32
      %dma_wait3A_138 = tpu.memref_slice %arg6[%dma_wait3A_136, %dma_wait3A_137] : memref<125x80xi32, #tpu.memory_space<vmem>> -> memref<1x80xi32, #tpu.memory_space<vmem>>
      %dma_wait3A_139 = tpu.memref_squeeze %dma_wait3A_138 : memref<1x80xi32, #tpu.memory_space<vmem>> -> memref<80xi32, #tpu.memory_space<vmem>>
      %dma_wait3A_140 = arith.constant 0 : i32
      %dma_wait3A_141 = arith.constant 0 : i32
      %dma_wait3A_142 = tpu.memref_slice %arg2[%dma_wait3A_140, %dma_wait3A_141] : memref<40000x64xf32, #tpu.memory_space<hbm>> -> memref<40000x64xf32, #tpu.memory_space<hbm>>
      tpu.wait_indirect_dma semaphore(%arg14 : memref<!tpu.dma_semaphore, #tpu.memory_space<semaphore_mem>>) src(%dma_wait3A_142 : memref<40000x64xf32, #tpu.memory_space<hbm>>) dst(%arg10 : memref<80x64xf32, #tpu.memory_space<vmem>>)
      %add3A_143 = arith.constant 5 : i32
      %add3A_144 = arith.addi %add3A_135, %add3A_143 : i32
      %sub3A_145 = arith.constant 1 : i32
      %sub3A_146 = arith.subi %add3A_144, %sub3A_145 : i32
      %lt3A_147 = arith.constant 125 : i32
      %lt3A_148 = arith.cmpi slt, %sub3A_146, %lt3A_147 : i32
      %convert_element_type3A_149 = arith.extui %lt3A_148 : i1 to i32
      %cond3A_150 = arith.constant 0 : i32
      %cond3A_151 = arith.cmpi ne, %convert_element_type3A_149, %cond3A_150 : i32
      scf.if %cond3A_151 {
        %dma_start3A_192 = arith.constant 0 : i32
        %dma_start3A_193 = tpu.memref_slice %arg6[%sub3A_146, %dma_start3A_192] : memref<125x80xi32, #tpu.memory_space<vmem>> -> memref<1x80xi32, #tpu.memory_space<vmem>>
        %dma_start3A_194 = tpu.memref_squeeze %dma_start3A_193 : memref<1x80xi32, #tpu.memory_space<vmem>> -> memref<80xi32, #tpu.memory_space<vmem>>
        %dma_start3A_195 = arith.constant 0 : i32
        %dma_start3A_196 = arith.constant 0 : i32
        %dma_start3A_197 = tpu.memref_slice %arg2[%dma_start3A_195, %dma_start3A_196] : memref<40000x64xf32, #tpu.memory_space<hbm>> -> memref<40000x64xf32, #tpu.memory_space<hbm>>
        tpu.enqueue_indirect_dma source(%dma_start3A_197 : memref<40000x64xf32, #tpu.memory_space<hbm>>) target(%arg9 : memref<80x64xf32, #tpu.memory_space<vmem>>) offsets(%dma_start3A_194 : memref<80xi32, #tpu.memory_space<vmem>>) semaphore(%arg14 : memref<!tpu.dma_semaphore, #tpu.memory_space<semaphore_mem>>)
      } else {
      }
      "tpu.region"() ({
        %run_scoped3A_192 = tpu.sem_alloc : memref<!tpu.dma_semaphore, #tpu.memory_space<semaphore_mem>>
        %dma_start3A_193 = arith.constant 0 : i32
        %dma_start3A_194 = tpu.memref_slice %arg7[%add3A_135, %dma_start3A_193] : memref<125x80xi32, #tpu.memory_space<vmem>> -> memref<1x80xi32, #tpu.memory_space<vmem>>
        %dma_start3A_195 = tpu.memref_squeeze %dma_start3A_194 : memref<1x80xi32, #tpu.memory_space<vmem>> -> memref<80xi32, #tpu.memory_space<vmem>>
        %dma_start3A_196 = arith.constant 0 : i32
        %dma_start3A_197 = arith.constant 0 : i32
        %dma_start3A_198 = tpu.memref_slice %arg13[%dma_start3A_196, %dma_start3A_197] : memref<10240x64xf32, #tpu.memory_space<vmem_shared>> -> memref<10240x64xf32, #tpu.memory_space<vmem_shared>>
        tpu.enqueue_indirect_dma source(%arg10 : memref<80x64xf32, #tpu.memory_space<vmem>>) target(%dma_start3A_198 : memref<10240x64xf32, #tpu.memory_space<vmem_shared>>) offsets(%dma_start3A_195 : memref<80xi32, #tpu.memory_space<vmem>>) semaphore(%run_scoped3A_192 : memref<!tpu.dma_semaphore, #tpu.memory_space<semaphore_mem>>) {add = true}
        %dma_wait3A_199 = arith.constant 0 : i32
        %dma_wait3A_200 = tpu.memref_slice %arg7[%add3A_135, %dma_wait3A_199] : memref<125x80xi32, #tpu.memory_space<vmem>> -> memref<1x80xi32, #tpu.memory_space<vmem>>
        %dma_wait3A_201 = tpu.memref_squeeze %dma_wait3A_200 : memref<1x80xi32, #tpu.memory_space<vmem>> -> memref<80xi32, #tpu.memory_space<vmem>>
        %dma_wait3A_202 = arith.constant 0 : i32
        %dma_wait3A_203 = arith.constant 0 : i32
        %dma_wait3A_204 = tpu.memref_slice %arg13[%dma_wait3A_202, %dma_wait3A_203] : memref<10240x64xf32, #tpu.memory_space<vmem_shared>> -> memref<10240x64xf32, #tpu.memory_space<vmem_shared>>
        tpu.wait_indirect_dma semaphore(%run_scoped3A_192 : memref<!tpu.dma_semaphore, #tpu.memory_space<semaphore_mem>>) src(%arg10 : memref<80x64xf32, #tpu.memory_space<vmem>>) dst(%dma_wait3A_204 : memref<10240x64xf32, #tpu.memory_space<vmem_shared>>)
        tpu.yield
      }) : () -> ()
      %mul3A_152 = arith.constant 5 : i32
      %mul3A_153 = arith.muli %add3A_96, %mul3A_152 : i32
      %add3A_154 = arith.constant 3 : i32
      %add3A_155 = arith.addi %mul3A_153, %add3A_154 : i32
      %dma_wait3A_156 = arith.constant 0 : i32
      %dma_wait3A_157 = arith.constant 0 : i32
      %dma_wait3A_158 = tpu.memref_slice %arg6[%dma_wait3A_156, %dma_wait3A_157] : memref<125x80xi32, #tpu.memory_space<vmem>> -> memref<1x80xi32, #tpu.memory_space<vmem>>
      %dma_wait3A_159 = tpu.memref_squeeze %dma_wait3A_158 : memref<1x80xi32, #tpu.memory_space<vmem>> -> memref<80xi32, #tpu.memory_space<vmem>>
      %dma_wait3A_160 = arith.constant 0 : i32
      %dma_wait3A_161 = arith.constant 0 : i32
      %dma_wait3A_162 = tpu.memref_slice %arg2[%dma_wait3A_160, %dma_wait3A_161] : memref<40000x64xf32, #tpu.memory_space<hbm>> -> memref<40000x64xf32, #tpu.memory_space<hbm>>
      tpu.wait_indirect_dma semaphore(%arg14 : memref<!tpu.dma_semaphore, #tpu.memory_space<semaphore_mem>>) src(%dma_wait3A_162 : memref<40000x64xf32, #tpu.memory_space<hbm>>) dst(%arg11 : memref<80x64xf32, #tpu.memory_space<vmem>>)
      %add3A_163 = arith.constant 5 : i32
      %add3A_164 = arith.addi %add3A_155, %add3A_163 : i32
      %sub3A_165 = arith.constant 1 : i32
      %sub3A_166 = arith.subi %add3A_164, %sub3A_165 : i32
      %lt3A_167 = arith.constant 125 : i32
      %lt3A_168 = arith.cmpi slt, %sub3A_166, %lt3A_167 : i32
      %convert_element_type3A_169 = arith.extui %lt3A_168 : i1 to i32
      %cond3A_170 = arith.constant 0 : i32
      %cond3A_171 = arith.cmpi ne, %convert_element_type3A_169, %cond3A_170 : i32
      scf.if %cond3A_171 {
        %dma_start3A_192 = arith.constant 0 : i32
        %dma_start3A_193 = tpu.memref_slice %arg6[%sub3A_166, %dma_start3A_192] : memref<125x80xi32, #tpu.memory_space<vmem>> -> memref<1x80xi32, #tpu.memory_space<vmem>>
        %dma_start3A_194 = tpu.memref_squeeze %dma_start3A_193 : memref<1x80xi32, #tpu.memory_space<vmem>> -> memref<80xi32, #tpu.memory_space<vmem>>
        %dma_start3A_195 = arith.constant 0 : i32
        %dma_start3A_196 = arith.constant 0 : i32
        %dma_start3A_197 = tpu.memref_slice %arg2[%dma_start3A_195, %dma_start3A_196] : memref<40000x64xf32, #tpu.memory_space<hbm>> -> memref<40000x64xf32, #tpu.memory_space<hbm>>
        tpu.enqueue_indirect_dma source(%dma_start3A_197 : memref<40000x64xf32, #tpu.memory_space<hbm>>) target(%arg10 : memref<80x64xf32, #tpu.memory_space<vmem>>) offsets(%dma_start3A_194 : memref<80xi32, #tpu.memory_space<vmem>>) semaphore(%arg14 : memref<!tpu.dma_semaphore, #tpu.memory_space<semaphore_mem>>)
      } else {
      }
      "tpu.region"() ({
        %run_scoped3A_192 = tpu.sem_alloc : memref<!tpu.dma_semaphore, #tpu.memory_space<semaphore_mem>>
        %dma_start3A_193 = arith.constant 0 : i32
        %dma_start3A_194 = tpu.memref_slice %arg7[%add3A_155, %dma_start3A_193] : memref<125x80xi32, #tpu.memory_space<vmem>> -> memref<1x80xi32, #tpu.memory_space<vmem>>
        %dma_start3A_195 = tpu.memref_squeeze %dma_start3A_194 : memref<1x80xi32, #tpu.memory_space<vmem>> -> memref<80xi32, #tpu.memory_space<vmem>>
        %dma_start3A_196 = arith.constant 0 : i32
        %dma_start3A_197 = arith.constant 0 : i32
        %dma_start3A_198 = tpu.memref_slice %arg13[%dma_start3A_196, %dma_start3A_197] : memref<10240x64xf32, #tpu.memory_space<vmem_shared>> -> memref<10240x64xf32, #tpu.memory_space<vmem_shared>>
        tpu.enqueue_indirect_dma source(%arg11 : memref<80x64xf32, #tpu.memory_space<vmem>>) target(%dma_start3A_198 : memref<10240x64xf32, #tpu.memory_space<vmem_shared>>) offsets(%dma_start3A_195 : memref<80xi32, #tpu.memory_space<vmem>>) semaphore(%run_scoped3A_192 : memref<!tpu.dma_semaphore, #tpu.memory_space<semaphore_mem>>) {add = true}
        %dma_wait3A_199 = arith.constant 0 : i32
        %dma_wait3A_200 = tpu.memref_slice %arg7[%add3A_155, %dma_wait3A_199] : memref<125x80xi32, #tpu.memory_space<vmem>> -> memref<1x80xi32, #tpu.memory_space<vmem>>
        %dma_wait3A_201 = tpu.memref_squeeze %dma_wait3A_200 : memref<1x80xi32, #tpu.memory_space<vmem>> -> memref<80xi32, #tpu.memory_space<vmem>>
        %dma_wait3A_202 = arith.constant 0 : i32
        %dma_wait3A_203 = arith.constant 0 : i32
        %dma_wait3A_204 = tpu.memref_slice %arg13[%dma_wait3A_202, %dma_wait3A_203] : memref<10240x64xf32, #tpu.memory_space<vmem_shared>> -> memref<10240x64xf32, #tpu.memory_space<vmem_shared>>
        tpu.wait_indirect_dma semaphore(%run_scoped3A_192 : memref<!tpu.dma_semaphore, #tpu.memory_space<semaphore_mem>>) src(%arg11 : memref<80x64xf32, #tpu.memory_space<vmem>>) dst(%dma_wait3A_204 : memref<10240x64xf32, #tpu.memory_space<vmem_shared>>)
        tpu.yield
      }) : () -> ()
      %mul3A_172 = arith.constant 5 : i32
      %mul3A_173 = arith.muli %add3A_96, %mul3A_172 : i32
      %add3A_174 = arith.constant 4 : i32
      %add3A_175 = arith.addi %mul3A_173, %add3A_174 : i32
      %dma_wait3A_176 = arith.constant 0 : i32
      %dma_wait3A_177 = arith.constant 0 : i32
      %dma_wait3A_178 = tpu.memref_slice %arg6[%dma_wait3A_176, %dma_wait3A_177] : memref<125x80xi32, #tpu.memory_space<vmem>> -> memref<1x80xi32, #tpu.memory_space<vmem>>
      %dma_wait3A_179 = tpu.memref_squeeze %dma_wait3A_178 : memref<1x80xi32, #tpu.memory_space<vmem>> -> memref<80xi32, #tpu.memory_space<vmem>>
      %dma_wait3A_180 = arith.constant 0 : i32
      %dma_wait3A_181 = arith.constant 0 : i32
      %dma_wait3A_182 = tpu.memref_slice %arg2[%dma_wait3A_180, %dma_wait3A_181] : memref<40000x64xf32, #tpu.memory_space<hbm>> -> memref<40000x64xf32, #tpu.memory_space<hbm>>
      tpu.wait_indirect_dma semaphore(%arg14 : memref<!tpu.dma_semaphore, #tpu.memory_space<semaphore_mem>>) src(%dma_wait3A_182 : memref<40000x64xf32, #tpu.memory_space<hbm>>) dst(%arg12 : memref<80x64xf32, #tpu.memory_space<vmem>>)
      %add3A_183 = arith.constant 5 : i32
      %add3A_184 = arith.addi %add3A_175, %add3A_183 : i32
      %sub3A_185 = arith.constant 1 : i32
      %sub3A_186 = arith.subi %add3A_184, %sub3A_185 : i32
      %lt3A_187 = arith.constant 125 : i32
      %lt3A_188 = arith.cmpi slt, %sub3A_186, %lt3A_187 : i32
      %convert_element_type3A_189 = arith.extui %lt3A_188 : i1 to i32
      %cond3A_190 = arith.constant 0 : i32
      %cond3A_191 = arith.cmpi ne, %convert_element_type3A_189, %cond3A_190 : i32
      scf.if %cond3A_191 {
        %dma_start3A_192 = arith.constant 0 : i32
        %dma_start3A_193 = tpu.memref_slice %arg6[%sub3A_186, %dma_start3A_192] : memref<125x80xi32, #tpu.memory_space<vmem>> -> memref<1x80xi32, #tpu.memory_space<vmem>>
        %dma_start3A_194 = tpu.memref_squeeze %dma_start3A_193 : memref<1x80xi32, #tpu.memory_space<vmem>> -> memref<80xi32, #tpu.memory_space<vmem>>
        %dma_start3A_195 = arith.constant 0 : i32
        %dma_start3A_196 = arith.constant 0 : i32
        %dma_start3A_197 = tpu.memref_slice %arg2[%dma_start3A_195, %dma_start3A_196] : memref<40000x64xf32, #tpu.memory_space<hbm>> -> memref<40000x64xf32, #tpu.memory_space<hbm>>
        tpu.enqueue_indirect_dma source(%dma_start3A_197 : memref<40000x64xf32, #tpu.memory_space<hbm>>) target(%arg11 : memref<80x64xf32, #tpu.memory_space<vmem>>) offsets(%dma_start3A_194 : memref<80xi32, #tpu.memory_space<vmem>>) semaphore(%arg14 : memref<!tpu.dma_semaphore, #tpu.memory_space<semaphore_mem>>)
      } else {
      }
      "tpu.region"() ({
        %run_scoped3A_192 = tpu.sem_alloc : memref<!tpu.dma_semaphore, #tpu.memory_space<semaphore_mem>>
        %dma_start3A_193 = arith.constant 0 : i32
        %dma_start3A_194 = tpu.memref_slice %arg7[%add3A_175, %dma_start3A_193] : memref<125x80xi32, #tpu.memory_space<vmem>> -> memref<1x80xi32, #tpu.memory_space<vmem>>
        %dma_start3A_195 = tpu.memref_squeeze %dma_start3A_194 : memref<1x80xi32, #tpu.memory_space<vmem>> -> memref<80xi32, #tpu.memory_space<vmem>>
        %dma_start3A_196 = arith.constant 0 : i32
        %dma_start3A_197 = arith.constant 0 : i32
        %dma_start3A_198 = tpu.memref_slice %arg13[%dma_start3A_196, %dma_start3A_197] : memref<10240x64xf32, #tpu.memory_space<vmem_shared>> -> memref<10240x64xf32, #tpu.memory_space<vmem_shared>>
        tpu.enqueue_indirect_dma source(%arg12 : memref<80x64xf32, #tpu.memory_space<vmem>>) target(%dma_start3A_198 : memref<10240x64xf32, #tpu.memory_space<vmem_shared>>) offsets(%dma_start3A_195 : memref<80xi32, #tpu.memory_space<vmem>>) semaphore(%run_scoped3A_192 : memref<!tpu.dma_semaphore, #tpu.memory_space<semaphore_mem>>) {add = true}
        %dma_wait3A_199 = arith.constant 0 : i32
        %dma_wait3A_200 = tpu.memref_slice %arg7[%add3A_175, %dma_wait3A_199] : memref<125x80xi32, #tpu.memory_space<vmem>> -> memref<1x80xi32, #tpu.memory_space<vmem>>
        %dma_wait3A_201 = tpu.memref_squeeze %dma_wait3A_200 : memref<1x80xi32, #tpu.memory_space<vmem>> -> memref<80xi32, #tpu.memory_space<vmem>>
        %dma_wait3A_202 = arith.constant 0 : i32
        %dma_wait3A_203 = arith.constant 0 : i32
        %dma_wait3A_204 = tpu.memref_slice %arg13[%dma_wait3A_202, %dma_wait3A_203] : memref<10240x64xf32, #tpu.memory_space<vmem_shared>> -> memref<10240x64xf32, #tpu.memory_space<vmem_shared>>
        tpu.wait_indirect_dma semaphore(%run_scoped3A_192 : memref<!tpu.dma_semaphore, #tpu.memory_space<semaphore_mem>>) src(%arg12 : memref<80x64xf32, #tpu.memory_space<vmem>>) dst(%dma_wait3A_204 : memref<10240x64xf32, #tpu.memory_space<vmem_shared>>)
        tpu.yield
      }) : () -> ()
    }
    %scan3A_39 = arith.constant 25 : i32
    %barrier3A_40 = arith.constant 0 : index
    tpu.barrier barrier_id(%barrier3A_40)
    %mul3A_41 = arith.constant 640 : i32
    %mul3A_42 = arith.muli %arg1, %mul3A_41 : i32
    %mul3A_43 = arith.constant 640 : i32
    %mul3A_44 = arith.muli %arg1, %mul3A_43 : i32
    "tpu.region"() ({
      %run_scoped3A_93 = tpu.sem_alloc : memref<!tpu.dma_semaphore, #tpu.memory_space<semaphore_mem>>
      %dma_start3A_94 = arith.constant 0 : i32
      %dma_start3A_95 = tpu.memref_slice %arg5[%arg0, %mul3A_44, %dma_start3A_94] : memref<2x10240x128xf32, #tpu.memory_space<hbm>> -> memref<1x640x64xf32, #tpu.memory_space<hbm>>
      %dma_start3A_96 = tpu.memref_squeeze %dma_start3A_95 : memref<1x640x64xf32, #tpu.memory_space<hbm>> -> memref<640x64xf32, #tpu.memory_space<hbm>>
      %dma_start3A_97 = arith.constant 0 : i32
      %dma_start3A_98 = tpu.memref_slice %arg13[%mul3A_42, %dma_start3A_97] : memref<10240x64xf32, #tpu.memory_space<vmem_shared>> -> memref<640x64xf32, #tpu.memory_space<vmem_shared>>
      tpu.enqueue_dma source(%dma_start3A_98 : memref<640x64xf32, #tpu.memory_space<vmem_shared>>) target(%dma_start3A_96 : memref<640x64xf32, #tpu.memory_space<hbm>>) target_semaphore(%run_scoped3A_93 : memref<!tpu.dma_semaphore, #tpu.memory_space<semaphore_mem>>)
      %dma_wait3A = arith.constant 0 : i32
      %dma_wait3A_99 = tpu.memref_slice %arg5[%arg0, %mul3A_44, %dma_wait3A] : memref<2x10240x128xf32, #tpu.memory_space<hbm>> -> memref<1x640x64xf32, #tpu.memory_space<hbm>>
      %dma_wait3A_100 = tpu.memref_squeeze %dma_wait3A_99 : memref<1x640x64xf32, #tpu.memory_space<hbm>> -> memref<640x64xf32, #tpu.memory_space<hbm>>
      %dma_wait3A_101 = arith.constant 0 : i32
      %dma_wait3A_102 = tpu.memref_slice %arg13[%mul3A_42, %dma_wait3A_101] : memref<10240x64xf32, #tpu.memory_space<vmem_shared>> -> memref<640x64xf32, #tpu.memory_space<vmem_shared>>
      tpu.wait_dma2 semaphore(%run_scoped3A_93 : memref<!tpu.dma_semaphore, #tpu.memory_space<semaphore_mem>>) src(%dma_wait3A_102 : memref<640x64xf32, #tpu.memory_space<vmem_shared>>) dst(%dma_wait3A_100 : memref<640x64xf32, #tpu.memory_space<hbm>>)
      tpu.yield
    }) : () -> ()
    %broadcast_in_dim3A_45 = arith.constant 1 : i32
    %broadcast_in_dim3A_46 = vector.broadcast %broadcast_in_dim3A_45 : i32 to vector<16xi32>
    %scan3A_47 = arith.constant 0 : i32
    %scan3A_48 = arith.constant 125 : i32
    %scan3A_49 = arith.addi %scan3A_47, %scan3A_48 : i32
    %scan3A_50 = arith.constant 1 : i32
    scf.for %scan3A_93 = %scan3A_47 to %scan3A_49 step %scan3A_50  : i32 {
      %mul3A_94 = arith.constant 1 : i32
      %mul3A_95 = arith.muli %scan3A_93, %mul3A_94 : i32
      %add3A = arith.constant 0 : i32
      %add3A_96 = arith.addi %add3A, %mul3A_95 : i32
      %get3A = arith.index_cast %add3A_96 : i32 to index
      %get3A_97 = arith.constant 0 : index
      %get3A_98 = tpu.vector_load %arg6[%get3A, %get3A_97] {strides = array<i32>} : memref<125x80xi32, #tpu.memory_space<vmem>>, vector<1x16xi32>,
      %get3A_99 = vector.shape_cast %get3A_98 : vector<1x16xi32> to vector<16xi32>
      %add3A_100 = arith.addi %get3A_99, %broadcast_in_dim3A_46 : vector<16xi32>
      %swap3A = arith.index_cast %add3A_96 : i32 to index
      %swap3A_101 = arith.constant 0 : index
      %swap3A_102 = tpu.vector_load %arg6[%swap3A, %swap3A_101] {strides = array<i32>} : memref<125x80xi32, #tpu.memory_space<vmem>>, vector<1x16xi32>,
      %swap3A_103 = vector.shape_cast %swap3A_102 : vector<1x16xi32> to vector<16xi32>
      %swap3A_104 = vector.shape_cast %add3A_100 : vector<16xi32> to vector<1x16xi32>
      tpu.vector_store %arg6[%swap3A, %swap3A_101], %swap3A_104 {strides = array<i32>} : memref<125x80xi32, #tpu.memory_space<vmem>>, vector<1x16xi32>,
      %get3A_105 = arith.index_cast %add3A_96 : i32 to index
      %get3A_106 = arith.constant 16 : index
      %get3A_107 = tpu.vector_load %arg6[%get3A_105, %get3A_106] {strides = array<i32>} : memref<125x80xi32, #tpu.memory_space<vmem>>, vector<1x16xi32>,
      %get3A_108 = vector.shape_cast %get3A_107 : vector<1x16xi32> to vector<16xi32>
      %add3A_109 = arith.addi %get3A_108, %broadcast_in_dim3A_46 : vector<16xi32>
      %swap3A_110 = arith.index_cast %add3A_96 : i32 to index
      %swap3A_111 = arith.constant 16 : index
      %swap3A_112 = tpu.vector_load %arg6[%swap3A_110, %swap3A_111] {strides = array<i32>} : memref<125x80xi32, #tpu.memory_space<vmem>>, vector<1x16xi32>,
      %swap3A_113 = vector.shape_cast %swap3A_112 : vector<1x16xi32> to vector<16xi32>
      %swap3A_114 = vector.shape_cast %add3A_109 : vector<16xi32> to vector<1x16xi32>
      tpu.vector_store %arg6[%swap3A_110, %swap3A_111], %swap3A_114 {strides = array<i32>} : memref<125x80xi32, #tpu.memory_space<vmem>>, vector<1x16xi32>,
      %get3A_115 = arith.index_cast %add3A_96 : i32 to index
      %get3A_116 = arith.constant 32 : index
      %get3A_117 = tpu.vector_load %arg6[%get3A_115, %get3A_116] {strides = array<i32>} : memref<125x80xi32, #tpu.memory_space<vmem>>, vector<1x16xi32>,
      %get3A_118 = vector.shape_cast %get3A_117 : vector<1x16xi32> to vector<16xi32>
      %add3A_119 = arith.addi %get3A_118, %broadcast_in_dim3A_46 : vector<16xi32>
      %swap3A_120 = arith.index_cast %add3A_96 : i32 to index
      %swap3A_121 = arith.constant 32 : index
      %swap3A_122 = tpu.vector_load %arg6[%swap3A_120, %swap3A_121] {strides = array<i32>} : memref<125x80xi32, #tpu.memory_space<vmem>>, vector<1x16xi32>,
      %swap3A_123 = vector.shape_cast %swap3A_122 : vector<1x16xi32> to vector<16xi32>
      %swap3A_124 = vector.shape_cast %add3A_119 : vector<16xi32> to vector<1x16xi32>
      tpu.vector_store %arg6[%swap3A_120, %swap3A_121], %swap3A_124 {strides = array<i32>} : memref<125x80xi32, #tpu.memory_space<vmem>>, vector<1x16xi32>,
      %get3A_125 = arith.index_cast %add3A_96 : i32 to index
      %get3A_126 = arith.constant 48 : index
      %get3A_127 = tpu.vector_load %arg6[%get3A_125, %get3A_126] {strides = array<i32>} : memref<125x80xi32, #tpu.memory_space<vmem>>, vector<1x16xi32>,
      %get3A_128 = vector.shape_cast %get3A_127 : vector<1x16xi32> to vector<16xi32>
      %add3A_129 = arith.addi %get3A_128, %broadcast_in_dim3A_46 : vector<16xi32>
      %swap3A_130 = arith.index_cast %add3A_96 : i32 to index
      %swap3A_131 = arith.constant 48 : index
      %swap3A_132 = tpu.vector_load %arg6[%swap3A_130, %swap3A_131] {strides = array<i32>} : memref<125x80xi32, #tpu.memory_space<vmem>>, vector<1x16xi32>,
      %swap3A_133 = vector.shape_cast %swap3A_132 : vector<1x16xi32> to vector<16xi32>
      %swap3A_134 = vector.shape_cast %add3A_129 : vector<16xi32> to vector<1x16xi32>
      tpu.vector_store %arg6[%swap3A_130, %swap3A_131], %swap3A_134 {strides = array<i32>} : memref<125x80xi32, #tpu.memory_space<vmem>>, vector<1x16xi32>,
      %get3A_135 = arith.index_cast %add3A_96 : i32 to index
      %get3A_136 = arith.constant 64 : index
      %get3A_137 = tpu.vector_load %arg6[%get3A_135, %get3A_136] {strides = array<i32>} : memref<125x80xi32, #tpu.memory_space<vmem>>, vector<1x16xi32>,
      %get3A_138 = vector.shape_cast %get3A_137 : vector<1x16xi32> to vector<16xi32>
      %add3A_139 = arith.addi %get3A_138, %broadcast_in_dim3A_46 : vector<16xi32>
      %swap3A_140 = arith.index_cast %add3A_96 : i32 to index
      %swap3A_141 = arith.constant 64 : index
      %swap3A_142 = tpu.vector_load %arg6[%swap3A_140, %swap3A_141] {strides = array<i32>} : memref<125x80xi32, #tpu.memory_space<vmem>>, vector<1x16xi32>,
      %swap3A_143 = vector.shape_cast %swap3A_142 : vector<1x16xi32> to vector<16xi32>
      %swap3A_144 = vector.shape_cast %add3A_139 : vector<16xi32> to vector<1x16xi32>
      tpu.vector_store %arg6[%swap3A_140, %swap3A_141], %swap3A_144 {strides = array<i32>} : memref<125x80xi32, #tpu.memory_space<vmem>>, vector<1x16xi32>,
    }
    %scan3A_51 = arith.constant 125 : i32
    %mul3A_52 = arith.constant 640 : i32
    %mul3A_53 = arith.muli %arg1, %mul3A_52 : i32
    "tpu.region"() ({
      %run_scoped3A_93 = tpu.sem_alloc : memref<!tpu.dma_semaphore, #tpu.memory_space<semaphore_mem>>
      %dma_start3A_94 = arith.constant 0 : i32
      %dma_start3A_95 = tpu.memref_slice %arg13[%mul3A_53, %dma_start3A_94] : memref<10240x64xf32, #tpu.memory_space<vmem_shared>> -> memref<640x64xf32, #tpu.memory_space<vmem_shared>>
      tpu.enqueue_dma source(%arg4 : memref<640x64xf32, #tpu.memory_space<hbm>>) target(%dma_start3A_95 : memref<640x64xf32, #tpu.memory_space<vmem_shared>>) target_semaphore(%run_scoped3A_93 : memref<!tpu.dma_semaphore, #tpu.memory_space<semaphore_mem>>)
      %dma_wait3A = arith.constant 0 : i32
      %dma_wait3A_96 = tpu.memref_slice %arg13[%mul3A_53, %dma_wait3A] : memref<10240x64xf32, #tpu.memory_space<vmem_shared>> -> memref<640x64xf32, #tpu.memory_space<vmem_shared>>
      tpu.wait_dma2 semaphore(%run_scoped3A_93 : memref<!tpu.dma_semaphore, #tpu.memory_space<semaphore_mem>>) src(%arg4 : memref<640x64xf32, #tpu.memory_space<hbm>>) dst(%dma_wait3A_96 : memref<640x64xf32, #tpu.memory_space<vmem_shared>>)
      tpu.yield
    }) : () -> ()
    %barrier3A_54 = arith.constant 0 : index
    tpu.barrier barrier_id(%barrier3A_54)
    %dma_start3A_55 = arith.constant 0 : i32
    %dma_start3A_56 = arith.constant 0 : i32
    %dma_start3A_57 = tpu.memref_slice %arg6[%dma_start3A_55, %dma_start3A_56] : memref<125x80xi32, #tpu.memory_space<vmem>> -> memref<1x80xi32, #tpu.memory_space<vmem>>
    %dma_start3A_58 = tpu.memref_squeeze %dma_start3A_57 : memref<1x80xi32, #tpu.memory_space<vmem>> -> memref<80xi32, #tpu.memory_space<vmem>>
    %dma_start3A_59 = arith.constant 0 : i32
    %dma_start3A_60 = arith.constant 0 : i32
    %dma_start3A_61 = tpu.memref_slice %arg2[%dma_start3A_59, %dma_start3A_60] : memref<40000x64xf32, #tpu.memory_space<hbm>> -> memref<40000x64xf32, #tpu.memory_space<hbm>>
    tpu.enqueue_indirect_dma source(%dma_start3A_61 : memref<40000x64xf32, #tpu.memory_space<hbm>>) target(%arg8 : memref<80x64xf32, #tpu.memory_space<vmem>>) offsets(%dma_start3A_58 : memref<80xi32, #tpu.memory_space<vmem>>) semaphore(%arg14 : memref<!tpu.dma_semaphore, #tpu.memory_space<semaphore_mem>>)
    %dma_start3A_62 = arith.constant 1 : i32
    %dma_start3A_63 = arith.constant 0 : i32
    %dma_start3A_64 = tpu.memref_slice %arg6[%dma_start3A_62, %dma_start3A_63] : memref<125x80xi32, #tpu.memory_space<vmem>> -> memref<1x80xi32, #tpu.memory_space<vmem>>
    %dma_start3A_65 = tpu.memref_squeeze %dma_start3A_64 : memref<1x80xi32, #tpu.memory_space<vmem>> -> memref<80xi32, #tpu.memory_space<vmem>>
    %dma_start3A_66 = arith.constant 0 : i32
    %dma_start3A_67 = arith.constant 0 : i32
    %dma_start3A_68 = tpu.memref_slice %arg2[%dma_start3A_66, %dma_start3A_67] : memref<40000x64xf32, #tpu.memory_space<hbm>> -> memref<40000x64xf32, #tpu.memory_space<hbm>>
    tpu.enqueue_indirect_dma source(%dma_start3A_68 : memref<40000x64xf32, #tpu.memory_space<hbm>>) target(%arg9 : memref<80x64xf32, #tpu.memory_space<vmem>>) offsets(%dma_start3A_65 : memref<80xi32, #tpu.memory_space<vmem>>) semaphore(%arg14 : memref<!tpu.dma_semaphore, #tpu.memory_space<semaphore_mem>>)
    %dma_start3A_69 = arith.constant 2 : i32
    %dma_start3A_70 = arith.constant 0 : i32
    %dma_start3A_71 = tpu.memref_slice %arg6[%dma_start3A_69, %dma_start3A_70] : memref<125x80xi32, #tpu.memory_space<vmem>> -> memref<1x80xi32, #tpu.memory_space<vmem>>
    %dma_start3A_72 = tpu.memref_squeeze %dma_start3A_71 : memref<1x80xi32, #tpu.memory_space<vmem>> -> memref<80xi32, #tpu.memory_space<vmem>>
    %dma_start3A_73 = arith.constant 0 : i32
    %dma_start3A_74 = arith.constant 0 : i32
    %dma_start3A_75 = tpu.memref_slice %arg2[%dma_start3A_73, %dma_start3A_74] : memref<40000x64xf32, #tpu.memory_space<hbm>> -> memref<40000x64xf32, #tpu.memory_space<hbm>>
    tpu.enqueue_indirect_dma source(%dma_start3A_75 : memref<40000x64xf32, #tpu.memory_space<hbm>>) target(%arg10 : memref<80x64xf32, #tpu.memory_space<vmem>>) offsets(%dma_start3A_72 : memref<80xi32, #tpu.memory_space<vmem>>) semaphore(%arg14 : memref<!tpu.dma_semaphore, #tpu.memory_space<semaphore_mem>>)
    %dma_start3A_76 = arith.constant 3 : i32
    %dma_start3A_77 = arith.constant 0 : i32
    %dma_start3A_78 = tpu.memref_slice %arg6[%dma_start3A_76, %dma_start3A_77] : memref<125x80xi32, #tpu.memory_space<vmem>> -> memref<1x80xi32, #tpu.memory_space<vmem>>
    %dma_start3A_79 = tpu.memref_squeeze %dma_start3A_78 : memref<1x80xi32, #tpu.memory_space<vmem>> -> memref<80xi32, #tpu.memory_space<vmem>>
    %dma_start3A_80 = arith.constant 0 : i32
    %dma_start3A_81 = arith.constant 0 : i32
    %dma_start3A_82 = tpu.memref_slice %arg2[%dma_start3A_80, %dma_start3A_81] : memref<40000x64xf32, #tpu.memory_space<hbm>> -> memref<40000x64xf32, #tpu.memory_space<hbm>>
    tpu.enqueue_indirect_dma source(%dma_start3A_82 : memref<40000x64xf32, #tpu.memory_space<hbm>>) target(%arg11 : memref<80x64xf32, #tpu.memory_space<vmem>>) offsets(%dma_start3A_79 : memref<80xi32, #tpu.memory_space<vmem>>) semaphore(%arg14 : memref<!tpu.dma_semaphore, #tpu.memory_space<semaphore_mem>>)
    %scan3A_83 = arith.constant 0 : i32
    %scan3A_84 = arith.constant 25 : i32
    %scan3A_85 = arith.addi %scan3A_83, %scan3A_84 : i32
    %scan3A_86 = arith.constant 1 : i32
    scf.for %scan3A_93 = %scan3A_83 to %scan3A_85 step %scan3A_86  : i32 {
      %mul3A_94 = arith.constant 1 : i32
      %mul3A_95 = arith.muli %scan3A_93, %mul3A_94 : i32
      %add3A = arith.constant 0 : i32
      %add3A_96 = arith.addi %add3A, %mul3A_95 : i32
      %mul3A_97 = arith.constant 5 : i32
      %mul3A_98 = arith.muli %add3A_96, %mul3A_97 : i32
      %add3A_99 = arith.constant 0 : i32
      %add3A_100 = arith.addi %mul3A_98, %add3A_99 : i32
      %dma_wait3A = arith.constant 0 : i32
      %dma_wait3A_101 = arith.constant 0 : i32
      %dma_wait3A_102 = tpu.memref_slice %arg6[%dma_wait3A, %dma_wait3A_101] : memref<125x80xi32, #tpu.memory_space<vmem>> -> memref<1x80xi32, #tpu.memory_space<vmem>>
      %dma_wait3A_103 = tpu.memref_squeeze %dma_wait3A_102 : memref<1x80xi32, #tpu.memory_space<vmem>> -> memref<80xi32, #tpu.memory_space<vmem>>
      %dma_wait3A_104 = arith.constant 0 : i32
      %dma_wait3A_105 = arith.constant 0 : i32
      %dma_wait3A_106 = tpu.memref_slice %arg2[%dma_wait3A_104, %dma_wait3A_105] : memref<40000x64xf32, #tpu.memory_space<hbm>> -> memref<40000x64xf32, #tpu.memory_space<hbm>>
      tpu.wait_indirect_dma semaphore(%arg14 : memref<!tpu.dma_semaphore, #tpu.memory_space<semaphore_mem>>) src(%dma_wait3A_106 : memref<40000x64xf32, #tpu.memory_space<hbm>>) dst(%arg8 : memref<80x64xf32, #tpu.memory_space<vmem>>)
      %add3A_107 = arith.constant 5 : i32
      %add3A_108 = arith.addi %add3A_100, %add3A_107 : i32
      %sub3A = arith.constant 1 : i32
      %sub3A_109 = arith.subi %add3A_108, %sub3A : i32
      %lt3A = arith.constant 125 : i32
      %lt3A_110 = arith.cmpi slt, %sub3A_109, %lt3A : i32
      %convert_element_type3A = arith.extui %lt3A_110 : i1 to i32
      %cond3A = arith.constant 0 : i32
      %cond3A_111 = arith.cmpi ne, %convert_element_type3A, %cond3A : i32
      scf.if %cond3A_111 {
        %dma_start3A_192 = arith.constant 0 : i32
        %dma_start3A_193 = tpu.memref_slice %arg6[%sub3A_109, %dma_start3A_192] : memref<125x80xi32, #tpu.memory_space<vmem>> -> memref<1x80xi32, #tpu.memory_space<vmem>>
        %dma_start3A_194 = tpu.memref_squeeze %dma_start3A_193 : memref<1x80xi32, #tpu.memory_space<vmem>> -> memref<80xi32, #tpu.memory_space<vmem>>
        %dma_start3A_195 = arith.constant 0 : i32
        %dma_start3A_196 = arith.constant 0 : i32
        %dma_start3A_197 = tpu.memref_slice %arg2[%dma_start3A_195, %dma_start3A_196] : memref<40000x64xf32, #tpu.memory_space<hbm>> -> memref<40000x64xf32, #tpu.memory_space<hbm>>
        tpu.enqueue_indirect_dma source(%dma_start3A_197 : memref<40000x64xf32, #tpu.memory_space<hbm>>) target(%arg12 : memref<80x64xf32, #tpu.memory_space<vmem>>) offsets(%dma_start3A_194 : memref<80xi32, #tpu.memory_space<vmem>>) semaphore(%arg14 : memref<!tpu.dma_semaphore, #tpu.memory_space<semaphore_mem>>)
      } else {
      }
      "tpu.region"() ({
        %run_scoped3A_192 = tpu.sem_alloc : memref<!tpu.dma_semaphore, #tpu.memory_space<semaphore_mem>>
        %dma_start3A_193 = arith.constant 0 : i32
        %dma_start3A_194 = tpu.memref_slice %arg7[%add3A_100, %dma_start3A_193] : memref<125x80xi32, #tpu.memory_space<vmem>> -> memref<1x80xi32, #tpu.memory_space<vmem>>
        %dma_start3A_195 = tpu.memref_squeeze %dma_start3A_194 : memref<1x80xi32, #tpu.memory_space<vmem>> -> memref<80xi32, #tpu.memory_space<vmem>>
        %dma_start3A_196 = arith.constant 0 : i32
        %dma_start3A_197 = arith.constant 0 : i32
        %dma_start3A_198 = tpu.memref_slice %arg13[%dma_start3A_196, %dma_start3A_197] : memref<10240x64xf32, #tpu.memory_space<vmem_shared>> -> memref<10240x64xf32, #tpu.memory_space<vmem_shared>>
        tpu.enqueue_indirect_dma source(%arg8 : memref<80x64xf32, #tpu.memory_space<vmem>>) target(%dma_start3A_198 : memref<10240x64xf32, #tpu.memory_space<vmem_shared>>) offsets(%dma_start3A_195 : memref<80xi32, #tpu.memory_space<vmem>>) semaphore(%run_scoped3A_192 : memref<!tpu.dma_semaphore, #tpu.memory_space<semaphore_mem>>) {add = true}
        %dma_wait3A_199 = arith.constant 0 : i32
        %dma_wait3A_200 = tpu.memref_slice %arg7[%add3A_100, %dma_wait3A_199] : memref<125x80xi32, #tpu.memory_space<vmem>> -> memref<1x80xi32, #tpu.memory_space<vmem>>
        %dma_wait3A_201 = tpu.memref_squeeze %dma_wait3A_200 : memref<1x80xi32, #tpu.memory_space<vmem>> -> memref<80xi32, #tpu.memory_space<vmem>>
        %dma_wait3A_202 = arith.constant 0 : i32
        %dma_wait3A_203 = arith.constant 0 : i32
        %dma_wait3A_204 = tpu.memref_slice %arg13[%dma_wait3A_202, %dma_wait3A_203] : memref<10240x64xf32, #tpu.memory_space<vmem_shared>> -> memref<10240x64xf32, #tpu.memory_space<vmem_shared>>
        tpu.wait_indirect_dma semaphore(%run_scoped3A_192 : memref<!tpu.dma_semaphore, #tpu.memory_space<semaphore_mem>>) src(%arg8 : memref<80x64xf32, #tpu.memory_space<vmem>>) dst(%dma_wait3A_204 : memref<10240x64xf32, #tpu.memory_space<vmem_shared>>)
        tpu.yield
      }) : () -> ()
      %mul3A_112 = arith.constant 5 : i32
      %mul3A_113 = arith.muli %add3A_96, %mul3A_112 : i32
      %add3A_114 = arith.constant 1 : i32
      %add3A_115 = arith.addi %mul3A_113, %add3A_114 : i32
      %dma_wait3A_116 = arith.constant 0 : i32
      %dma_wait3A_117 = arith.constant 0 : i32
      %dma_wait3A_118 = tpu.memref_slice %arg6[%dma_wait3A_116, %dma_wait3A_117] : memref<125x80xi32, #tpu.memory_space<vmem>> -> memref<1x80xi32, #tpu.memory_space<vmem>>
      %dma_wait3A_119 = tpu.memref_squeeze %dma_wait3A_118 : memref<1x80xi32, #tpu.memory_space<vmem>> -> memref<80xi32, #tpu.memory_space<vmem>>
      %dma_wait3A_120 = arith.constant 0 : i32
      %dma_wait3A_121 = arith.constant 0 : i32
      %dma_wait3A_122 = tpu.memref_slice %arg2[%dma_wait3A_120, %dma_wait3A_121] : memref<40000x64xf32, #tpu.memory_space<hbm>> -> memref<40000x64xf32, #tpu.memory_space<hbm>>
      tpu.wait_indirect_dma semaphore(%arg14 : memref<!tpu.dma_semaphore, #tpu.memory_space<semaphore_mem>>) src(%dma_wait3A_122 : memref<40000x64xf32, #tpu.memory_space<hbm>>) dst(%arg9 : memref<80x64xf32, #tpu.memory_space<vmem>>)
      %add3A_123 = arith.constant 5 : i32
      %add3A_124 = arith.addi %add3A_115, %add3A_123 : i32
      %sub3A_125 = arith.constant 1 : i32
      %sub3A_126 = arith.subi %add3A_124, %sub3A_125 : i32
      %lt3A_127 = arith.constant 125 : i32
      %lt3A_128 = arith.cmpi slt, %sub3A_126, %lt3A_127 : i32
      %convert_element_type3A_129 = arith.extui %lt3A_128 : i1 to i32
      %cond3A_130 = arith.constant 0 : i32
      %cond3A_131 = arith.cmpi ne, %convert_element_type3A_129, %cond3A_130 : i32
      scf.if %cond3A_131 {
        %dma_start3A_192 = arith.constant 0 : i32
        %dma_start3A_193 = tpu.memref_slice %arg6[%sub3A_126, %dma_start3A_192] : memref<125x80xi32, #tpu.memory_space<vmem>> -> memref<1x80xi32, #tpu.memory_space<vmem>>
        %dma_start3A_194 = tpu.memref_squeeze %dma_start3A_193 : memref<1x80xi32, #tpu.memory_space<vmem>> -> memref<80xi32, #tpu.memory_space<vmem>>
        %dma_start3A_195 = arith.constant 0 : i32
        %dma_start3A_196 = arith.constant 0 : i32
        %dma_start3A_197 = tpu.memref_slice %arg2[%dma_start3A_195, %dma_start3A_196] : memref<40000x64xf32, #tpu.memory_space<hbm>> -> memref<40000x64xf32, #tpu.memory_space<hbm>>
        tpu.enqueue_indirect_dma source(%dma_start3A_197 : memref<40000x64xf32, #tpu.memory_space<hbm>>) target(%arg8 : memref<80x64xf32, #tpu.memory_space<vmem>>) offsets(%dma_start3A_194 : memref<80xi32, #tpu.memory_space<vmem>>) semaphore(%arg14 : memref<!tpu.dma_semaphore, #tpu.memory_space<semaphore_mem>>)
      } else {
      }
      "tpu.region"() ({
        %run_scoped3A_192 = tpu.sem_alloc : memref<!tpu.dma_semaphore, #tpu.memory_space<semaphore_mem>>
        %dma_start3A_193 = arith.constant 0 : i32
        %dma_start3A_194 = tpu.memref_slice %arg7[%add3A_115, %dma_start3A_193] : memref<125x80xi32, #tpu.memory_space<vmem>> -> memref<1x80xi32, #tpu.memory_space<vmem>>
        %dma_start3A_195 = tpu.memref_squeeze %dma_start3A_194 : memref<1x80xi32, #tpu.memory_space<vmem>> -> memref<80xi32, #tpu.memory_space<vmem>>
        %dma_start3A_196 = arith.constant 0 : i32
        %dma_start3A_197 = arith.constant 0 : i32
        %dma_start3A_198 = tpu.memref_slice %arg13[%dma_start3A_196, %dma_start3A_197] : memref<10240x64xf32, #tpu.memory_space<vmem_shared>> -> memref<10240x64xf32, #tpu.memory_space<vmem_shared>>
        tpu.enqueue_indirect_dma source(%arg9 : memref<80x64xf32, #tpu.memory_space<vmem>>) target(%dma_start3A_198 : memref<10240x64xf32, #tpu.memory_space<vmem_shared>>) offsets(%dma_start3A_195 : memref<80xi32, #tpu.memory_space<vmem>>) semaphore(%run_scoped3A_192 : memref<!tpu.dma_semaphore, #tpu.memory_space<semaphore_mem>>) {add = true}
        %dma_wait3A_199 = arith.constant 0 : i32
        %dma_wait3A_200 = tpu.memref_slice %arg7[%add3A_115, %dma_wait3A_199] : memref<125x80xi32, #tpu.memory_space<vmem>> -> memref<1x80xi32, #tpu.memory_space<vmem>>
        %dma_wait3A_201 = tpu.memref_squeeze %dma_wait3A_200 : memref<1x80xi32, #tpu.memory_space<vmem>> -> memref<80xi32, #tpu.memory_space<vmem>>
        %dma_wait3A_202 = arith.constant 0 : i32
        %dma_wait3A_203 = arith.constant 0 : i32
        %dma_wait3A_204 = tpu.memref_slice %arg13[%dma_wait3A_202, %dma_wait3A_203] : memref<10240x64xf32, #tpu.memory_space<vmem_shared>> -> memref<10240x64xf32, #tpu.memory_space<vmem_shared>>
        tpu.wait_indirect_dma semaphore(%run_scoped3A_192 : memref<!tpu.dma_semaphore, #tpu.memory_space<semaphore_mem>>) src(%arg9 : memref<80x64xf32, #tpu.memory_space<vmem>>) dst(%dma_wait3A_204 : memref<10240x64xf32, #tpu.memory_space<vmem_shared>>)
        tpu.yield
      }) : () -> ()
      %mul3A_132 = arith.constant 5 : i32
      %mul3A_133 = arith.muli %add3A_96, %mul3A_132 : i32
      %add3A_134 = arith.constant 2 : i32
      %add3A_135 = arith.addi %mul3A_133, %add3A_134 : i32
      %dma_wait3A_136 = arith.constant 0 : i32
      %dma_wait3A_137 = arith.constant 0 : i32
      %dma_wait3A_138 = tpu.memref_slice %arg6[%dma_wait3A_136, %dma_wait3A_137] : memref<125x80xi32, #tpu.memory_space<vmem>> -> memref<1x80xi32, #tpu.memory_space<vmem>>
      %dma_wait3A_139 = tpu.memref_squeeze %dma_wait3A_138 : memref<1x80xi32, #tpu.memory_space<vmem>> -> memref<80xi32, #tpu.memory_space<vmem>>
      %dma_wait3A_140 = arith.constant 0 : i32
      %dma_wait3A_141 = arith.constant 0 : i32
      %dma_wait3A_142 = tpu.memref_slice %arg2[%dma_wait3A_140, %dma_wait3A_141] : memref<40000x64xf32, #tpu.memory_space<hbm>> -> memref<40000x64xf32, #tpu.memory_space<hbm>>
      tpu.wait_indirect_dma semaphore(%arg14 : memref<!tpu.dma_semaphore, #tpu.memory_space<semaphore_mem>>) src(%dma_wait3A_142 : memref<40000x64xf32, #tpu.memory_space<hbm>>) dst(%arg10 : memref<80x64xf32, #tpu.memory_space<vmem>>)
      %add3A_143 = arith.constant 5 : i32
      %add3A_144 = arith.addi %add3A_135, %add3A_143 : i32
      %sub3A_145 = arith.constant 1 : i32
      %sub3A_146 = arith.subi %add3A_144, %sub3A_145 : i32
      %lt3A_147 = arith.constant 125 : i32
      %lt3A_148 = arith.cmpi slt, %sub3A_146, %lt3A_147 : i32
      %convert_element_type3A_149 = arith.extui %lt3A_148 : i1 to i32
      %cond3A_150 = arith.constant 0 : i32
      %cond3A_151 = arith.cmpi ne, %convert_element_type3A_149, %cond3A_150 : i32
      scf.if %cond3A_151 {
        %dma_start3A_192 = arith.constant 0 : i32
        %dma_start3A_193 = tpu.memref_slice %arg6[%sub3A_146, %dma_start3A_192] : memref<125x80xi32, #tpu.memory_space<vmem>> -> memref<1x80xi32, #tpu.memory_space<vmem>>
        %dma_start3A_194 = tpu.memref_squeeze %dma_start3A_193 : memref<1x80xi32, #tpu.memory_space<vmem>> -> memref<80xi32, #tpu.memory_space<vmem>>
        %dma_start3A_195 = arith.constant 0 : i32
        %dma_start3A_196 = arith.constant 0 : i32
        %dma_start3A_197 = tpu.memref_slice %arg2[%dma_start3A_195, %dma_start3A_196] : memref<40000x64xf32, #tpu.memory_space<hbm>> -> memref<40000x64xf32, #tpu.memory_space<hbm>>
        tpu.enqueue_indirect_dma source(%dma_start3A_197 : memref<40000x64xf32, #tpu.memory_space<hbm>>) target(%arg9 : memref<80x64xf32, #tpu.memory_space<vmem>>) offsets(%dma_start3A_194 : memref<80xi32, #tpu.memory_space<vmem>>) semaphore(%arg14 : memref<!tpu.dma_semaphore, #tpu.memory_space<semaphore_mem>>)
      } else {
      }
      "tpu.region"() ({
        %run_scoped3A_192 = tpu.sem_alloc : memref<!tpu.dma_semaphore, #tpu.memory_space<semaphore_mem>>
        %dma_start3A_193 = arith.constant 0 : i32
        %dma_start3A_194 = tpu.memref_slice %arg7[%add3A_135, %dma_start3A_193] : memref<125x80xi32, #tpu.memory_space<vmem>> -> memref<1x80xi32, #tpu.memory_space<vmem>>
        %dma_start3A_195 = tpu.memref_squeeze %dma_start3A_194 : memref<1x80xi32, #tpu.memory_space<vmem>> -> memref<80xi32, #tpu.memory_space<vmem>>
        %dma_start3A_196 = arith.constant 0 : i32
        %dma_start3A_197 = arith.constant 0 : i32
        %dma_start3A_198 = tpu.memref_slice %arg13[%dma_start3A_196, %dma_start3A_197] : memref<10240x64xf32, #tpu.memory_space<vmem_shared>> -> memref<10240x64xf32, #tpu.memory_space<vmem_shared>>
        tpu.enqueue_indirect_dma source(%arg10 : memref<80x64xf32, #tpu.memory_space<vmem>>) target(%dma_start3A_198 : memref<10240x64xf32, #tpu.memory_space<vmem_shared>>) offsets(%dma_start3A_195 : memref<80xi32, #tpu.memory_space<vmem>>) semaphore(%run_scoped3A_192 : memref<!tpu.dma_semaphore, #tpu.memory_space<semaphore_mem>>) {add = true}
        %dma_wait3A_199 = arith.constant 0 : i32
        %dma_wait3A_200 = tpu.memref_slice %arg7[%add3A_135, %dma_wait3A_199] : memref<125x80xi32, #tpu.memory_space<vmem>> -> memref<1x80xi32, #tpu.memory_space<vmem>>
        %dma_wait3A_201 = tpu.memref_squeeze %dma_wait3A_200 : memref<1x80xi32, #tpu.memory_space<vmem>> -> memref<80xi32, #tpu.memory_space<vmem>>
        %dma_wait3A_202 = arith.constant 0 : i32
        %dma_wait3A_203 = arith.constant 0 : i32
        %dma_wait3A_204 = tpu.memref_slice %arg13[%dma_wait3A_202, %dma_wait3A_203] : memref<10240x64xf32, #tpu.memory_space<vmem_shared>> -> memref<10240x64xf32, #tpu.memory_space<vmem_shared>>
        tpu.wait_indirect_dma semaphore(%run_scoped3A_192 : memref<!tpu.dma_semaphore, #tpu.memory_space<semaphore_mem>>) src(%arg10 : memref<80x64xf32, #tpu.memory_space<vmem>>) dst(%dma_wait3A_204 : memref<10240x64xf32, #tpu.memory_space<vmem_shared>>)
        tpu.yield
      }) : () -> ()
      %mul3A_152 = arith.constant 5 : i32
      %mul3A_153 = arith.muli %add3A_96, %mul3A_152 : i32
      %add3A_154 = arith.constant 3 : i32
      %add3A_155 = arith.addi %mul3A_153, %add3A_154 : i32
      %dma_wait3A_156 = arith.constant 0 : i32
      %dma_wait3A_157 = arith.constant 0 : i32
      %dma_wait3A_158 = tpu.memref_slice %arg6[%dma_wait3A_156, %dma_wait3A_157] : memref<125x80xi32, #tpu.memory_space<vmem>> -> memref<1x80xi32, #tpu.memory_space<vmem>>
      %dma_wait3A_159 = tpu.memref_squeeze %dma_wait3A_158 : memref<1x80xi32, #tpu.memory_space<vmem>> -> memref<80xi32, #tpu.memory_space<vmem>>
      %dma_wait3A_160 = arith.constant 0 : i32
      %dma_wait3A_161 = arith.constant 0 : i32
      %dma_wait3A_162 = tpu.memref_slice %arg2[%dma_wait3A_160, %dma_wait3A_161] : memref<40000x64xf32, #tpu.memory_space<hbm>> -> memref<40000x64xf32, #tpu.memory_space<hbm>>
      tpu.wait_indirect_dma semaphore(%arg14 : memref<!tpu.dma_semaphore, #tpu.memory_space<semaphore_mem>>) src(%dma_wait3A_162 : memref<40000x64xf32, #tpu.memory_space<hbm>>) dst(%arg11 : memref<80x64xf32, #tpu.memory_space<vmem>>)
      %add3A_163 = arith.constant 5 : i32
      %add3A_164 = arith.addi %add3A_155, %add3A_163 : i32
      %sub3A_165 = arith.constant 1 : i32
      %sub3A_166 = arith.subi %add3A_164, %sub3A_165 : i32
      %lt3A_167 = arith.constant 125 : i32
      %lt3A_168 = arith.cmpi slt, %sub3A_166, %lt3A_167 : i32
      %convert_element_type3A_169 = arith.extui %lt3A_168 : i1 to i32
      %cond3A_170 = arith.constant 0 : i32
      %cond3A_171 = arith.cmpi ne, %convert_element_type3A_169, %cond3A_170 : i32
      scf.if %cond3A_171 {
        %dma_start3A_192 = arith.constant 0 : i32
        %dma_start3A_193 = tpu.memref_slice %arg6[%sub3A_166, %dma_start3A_192] : memref<125x80xi32, #tpu.memory_space<vmem>> -> memref<1x80xi32, #tpu.memory_space<vmem>>
        %dma_start3A_194 = tpu.memref_squeeze %dma_start3A_193 : memref<1x80xi32, #tpu.memory_space<vmem>> -> memref<80xi32, #tpu.memory_space<vmem>>
        %dma_start3A_195 = arith.constant 0 : i32
        %dma_start3A_196 = arith.constant 0 : i32
        %dma_start3A_197 = tpu.memref_slice %arg2[%dma_start3A_195, %dma_start3A_196] : memref<40000x64xf32, #tpu.memory_space<hbm>> -> memref<40000x64xf32, #tpu.memory_space<hbm>>
        tpu.enqueue_indirect_dma source(%dma_start3A_197 : memref<40000x64xf32, #tpu.memory_space<hbm>>) target(%arg10 : memref<80x64xf32, #tpu.memory_space<vmem>>) offsets(%dma_start3A_194 : memref<80xi32, #tpu.memory_space<vmem>>) semaphore(%arg14 : memref<!tpu.dma_semaphore, #tpu.memory_space<semaphore_mem>>)
      } else {
      }
      "tpu.region"() ({
        %run_scoped3A_192 = tpu.sem_alloc : memref<!tpu.dma_semaphore, #tpu.memory_space<semaphore_mem>>
        %dma_start3A_193 = arith.constant 0 : i32
        %dma_start3A_194 = tpu.memref_slice %arg7[%add3A_155, %dma_start3A_193] : memref<125x80xi32, #tpu.memory_space<vmem>> -> memref<1x80xi32, #tpu.memory_space<vmem>>
        %dma_start3A_195 = tpu.memref_squeeze %dma_start3A_194 : memref<1x80xi32, #tpu.memory_space<vmem>> -> memref<80xi32, #tpu.memory_space<vmem>>
        %dma_start3A_196 = arith.constant 0 : i32
        %dma_start3A_197 = arith.constant 0 : i32
        %dma_start3A_198 = tpu.memref_slice %arg13[%dma_start3A_196, %dma_start3A_197] : memref<10240x64xf32, #tpu.memory_space<vmem_shared>> -> memref<10240x64xf32, #tpu.memory_space<vmem_shared>>
        tpu.enqueue_indirect_dma source(%arg11 : memref<80x64xf32, #tpu.memory_space<vmem>>) target(%dma_start3A_198 : memref<10240x64xf32, #tpu.memory_space<vmem_shared>>) offsets(%dma_start3A_195 : memref<80xi32, #tpu.memory_space<vmem>>) semaphore(%run_scoped3A_192 : memref<!tpu.dma_semaphore, #tpu.memory_space<semaphore_mem>>) {add = true}
        %dma_wait3A_199 = arith.constant 0 : i32
        %dma_wait3A_200 = tpu.memref_slice %arg7[%add3A_155, %dma_wait3A_199] : memref<125x80xi32, #tpu.memory_space<vmem>> -> memref<1x80xi32, #tpu.memory_space<vmem>>
        %dma_wait3A_201 = tpu.memref_squeeze %dma_wait3A_200 : memref<1x80xi32, #tpu.memory_space<vmem>> -> memref<80xi32, #tpu.memory_space<vmem>>
        %dma_wait3A_202 = arith.constant 0 : i32
        %dma_wait3A_203 = arith.constant 0 : i32
        %dma_wait3A_204 = tpu.memref_slice %arg13[%dma_wait3A_202, %dma_wait3A_203] : memref<10240x64xf32, #tpu.memory_space<vmem_shared>> -> memref<10240x64xf32, #tpu.memory_space<vmem_shared>>
        tpu.wait_indirect_dma semaphore(%run_scoped3A_192 : memref<!tpu.dma_semaphore, #tpu.memory_space<semaphore_mem>>) src(%arg11 : memref<80x64xf32, #tpu.memory_space<vmem>>) dst(%dma_wait3A_204 : memref<10240x64xf32, #tpu.memory_space<vmem_shared>>)
        tpu.yield
      }) : () -> ()
      %mul3A_172 = arith.constant 5 : i32
      %mul3A_173 = arith.muli %add3A_96, %mul3A_172 : i32
      %add3A_174 = arith.constant 4 : i32
      %add3A_175 = arith.addi %mul3A_173, %add3A_174 : i32
      %dma_wait3A_176 = arith.constant 0 : i32
      %dma_wait3A_177 = arith.constant 0 : i32
      %dma_wait3A_178 = tpu.memref_slice %arg6[%dma_wait3A_176, %dma_wait3A_177] : memref<125x80xi32, #tpu.memory_space<vmem>> -> memref<1x80xi32, #tpu.memory_space<vmem>>
      %dma_wait3A_179 = tpu.memref_squeeze %dma_wait3A_178 : memref<1x80xi32, #tpu.memory_space<vmem>> -> memref<80xi32, #tpu.memory_space<vmem>>
      %dma_wait3A_180 = arith.constant 0 : i32
      %dma_wait3A_181 = arith.constant 0 : i32
      %dma_wait3A_182 = tpu.memref_slice %arg2[%dma_wait3A_180, %dma_wait3A_181] : memref<40000x64xf32, #tpu.memory_space<hbm>> -> memref<40000x64xf32, #tpu.memory_space<hbm>>
      tpu.wait_indirect_dma semaphore(%arg14 : memref<!tpu.dma_semaphore, #tpu.memory_space<semaphore_mem>>) src(%dma_wait3A_182 : memref<40000x64xf32, #tpu.memory_space<hbm>>) dst(%arg12 : memref<80x64xf32, #tpu.memory_space<vmem>>)
      %add3A_183 = arith.constant 5 : i32
      %add3A_184 = arith.addi %add3A_175, %add3A_183 : i32
      %sub3A_185 = arith.constant 1 : i32
      %sub3A_186 = arith.subi %add3A_184, %sub3A_185 : i32
      %lt3A_187 = arith.constant 125 : i32
      %lt3A_188 = arith.cmpi slt, %sub3A_186, %lt3A_187 : i32
      %convert_element_type3A_189 = arith.extui %lt3A_188 : i1 to i32
      %cond3A_190 = arith.constant 0 : i32
      %cond3A_191 = arith.cmpi ne, %convert_element_type3A_189, %cond3A_190 : i32
      scf.if %cond3A_191 {
        %dma_start3A_192 = arith.constant 0 : i32
        %dma_start3A_193 = tpu.memref_slice %arg6[%sub3A_186, %dma_start3A_192] : memref<125x80xi32, #tpu.memory_space<vmem>> -> memref<1x80xi32, #tpu.memory_space<vmem>>
        %dma_start3A_194 = tpu.memref_squeeze %dma_start3A_193 : memref<1x80xi32, #tpu.memory_space<vmem>> -> memref<80xi32, #tpu.memory_space<vmem>>
        %dma_start3A_195 = arith.constant 0 : i32
        %dma_start3A_196 = arith.constant 0 : i32
        %dma_start3A_197 = tpu.memref_slice %arg2[%dma_start3A_195, %dma_start3A_196] : memref<40000x64xf32, #tpu.memory_space<hbm>> -> memref<40000x64xf32, #tpu.memory_space<hbm>>
        tpu.enqueue_indirect_dma source(%dma_start3A_197 : memref<40000x64xf32, #tpu.memory_space<hbm>>) target(%arg11 : memref<80x64xf32, #tpu.memory_space<vmem>>) offsets(%dma_start3A_194 : memref<80xi32, #tpu.memory_space<vmem>>) semaphore(%arg14 : memref<!tpu.dma_semaphore, #tpu.memory_space<semaphore_mem>>)
      } else {
      }
      "tpu.region"() ({
        %run_scoped3A_192 = tpu.sem_alloc : memref<!tpu.dma_semaphore, #tpu.memory_space<semaphore_mem>>
        %dma_start3A_193 = arith.constant 0 : i32
        %dma_start3A_194 = tpu.memref_slice %arg7[%add3A_175, %dma_start3A_193] : memref<125x80xi32, #tpu.memory_space<vmem>> -> memref<1x80xi32, #tpu.memory_space<vmem>>
        %dma_start3A_195 = tpu.memref_squeeze %dma_start3A_194 : memref<1x80xi32, #tpu.memory_space<vmem>> -> memref<80xi32, #tpu.memory_space<vmem>>
        %dma_start3A_196 = arith.constant 0 : i32
        %dma_start3A_197 = arith.constant 0 : i32
        %dma_start3A_198 = tpu.memref_slice %arg13[%dma_start3A_196, %dma_start3A_197] : memref<10240x64xf32, #tpu.memory_space<vmem_shared>> -> memref<10240x64xf32, #tpu.memory_space<vmem_shared>>
        tpu.enqueue_indirect_dma source(%arg12 : memref<80x64xf32, #tpu.memory_space<vmem>>) target(%dma_start3A_198 : memref<10240x64xf32, #tpu.memory_space<vmem_shared>>) offsets(%dma_start3A_195 : memref<80xi32, #tpu.memory_space<vmem>>) semaphore(%run_scoped3A_192 : memref<!tpu.dma_semaphore, #tpu.memory_space<semaphore_mem>>) {add = true}
        %dma_wait3A_199 = arith.constant 0 : i32
        %dma_wait3A_200 = tpu.memref_slice %arg7[%add3A_175, %dma_wait3A_199] : memref<125x80xi32, #tpu.memory_space<vmem>> -> memref<1x80xi32, #tpu.memory_space<vmem>>
        %dma_wait3A_201 = tpu.memref_squeeze %dma_wait3A_200 : memref<1x80xi32, #tpu.memory_space<vmem>> -> memref<80xi32, #tpu.memory_space<vmem>>
        %dma_wait3A_202 = arith.constant 0 : i32
        %dma_wait3A_203 = arith.constant 0 : i32
        %dma_wait3A_204 = tpu.memref_slice %arg13[%dma_wait3A_202, %dma_wait3A_203] : memref<10240x64xf32, #tpu.memory_space<vmem_shared>> -> memref<10240x64xf32, #tpu.memory_space<vmem_shared>>
        tpu.wait_indirect_dma semaphore(%run_scoped3A_192 : memref<!tpu.dma_semaphore, #tpu.memory_space<semaphore_mem>>) src(%arg12 : memref<80x64xf32, #tpu.memory_space<vmem>>) dst(%dma_wait3A_204 : memref<10240x64xf32, #tpu.memory_space<vmem_shared>>)
        tpu.yield
      }) : () -> ()
    }
    %scan3A_87 = arith.constant 25 : i32
    %barrier3A_88 = arith.constant 0 : index
    tpu.barrier barrier_id(%barrier3A_88)
    %mul3A_89 = arith.constant 640 : i32
    %mul3A_90 = arith.muli %arg1, %mul3A_89 : i32
    %mul3A_91 = arith.constant 640 : i32
    %mul3A_92 = arith.muli %arg1, %mul3A_91 : i32
    "tpu.region"() ({
      %run_scoped3A_93 = tpu.sem_alloc : memref<!tpu.dma_semaphore, #tpu.memory_space<semaphore_mem>>
      %dma_start3A_94 = arith.constant 64 : i32
      %dma_start3A_95 = tpu.memref_slice %arg5[%arg0, %mul3A_92, %dma_start3A_94] : memref<2x10240x128xf32, #tpu.memory_space<hbm>> -> memref<1x640x64xf32, #tpu.memory_space<hbm>>
      %dma_start3A_96 = tpu.memref_squeeze %dma_start3A_95 : memref<1x640x64xf32, #tpu.memory_space<hbm>> -> memref<640x64xf32, #tpu.memory_space<hbm>>
      %dma_start3A_97 = arith.constant 0 : i32
      %dma_start3A_98 = tpu.memref_slice %arg13[%mul3A_90, %dma_start3A_97] : memref<10240x64xf32, #tpu.memory_space<vmem_shared>> -> memref<640x64xf32, #tpu.memory_space<vmem_shared>>
      tpu.enqueue_dma source(%dma_start3A_98 : memref<640x64xf32, #tpu.memory_space<vmem_shared>>) target(%dma_start3A_96 : memref<640x64xf32, #tpu.memory_space<hbm>>) target_semaphore(%run_scoped3A_93 : memref<!tpu.dma_semaphore, #tpu.memory_space<semaphore_mem>>)
      %dma_wait3A = arith.constant 64 : i32
      %dma_wait3A_99 = tpu.memref_slice %arg5[%arg0, %mul3A_92, %dma_wait3A] : memref<2x10240x128xf32, #tpu.memory_space<hbm>> -> memref<1x640x64xf32, #tpu.memory_space<hbm>>
      %dma_wait3A_100 = tpu.memref_squeeze %dma_wait3A_99 : memref<1x640x64xf32, #tpu.memory_space<hbm>> -> memref<640x64xf32, #tpu.memory_space<hbm>>
      %dma_wait3A_101 = arith.constant 0 : i32
      %dma_wait3A_102 = tpu.memref_slice %arg13[%mul3A_90, %dma_wait3A_101] : memref<10240x64xf32, #tpu.memory_space<vmem_shared>> -> memref<640x64xf32, #tpu.memory_space<vmem_shared>>
      tpu.wait_dma2 semaphore(%run_scoped3A_93 : memref<!tpu.dma_semaphore, #tpu.memory_space<semaphore_mem>>) src(%dma_wait3A_102 : memref<640x64xf32, #tpu.memory_space<vmem_shared>>) dst(%dma_wait3A_100 : memref<640x64xf32, #tpu.memory_space<hbm>>)
      tpu.yield
    }) : () -> ()
    return
  }
}

module attributes {stable_mosaic.version = 14 : i64} {
  func.func @_mm_body(%arg0: i32, %arg1: memref<1x1000x1xf32, #tpu.memory_space<vmem>>, %arg2: memref<1000x256xf32, #tpu.memory_space<vmem>>, %arg3: memref<256x256xf32, #tpu.memory_space<vmem>>, %arg4: memref<2x1000x128xf32, #tpu.memory_space<vmem>>) attributes {dimension_semantics = [#tpu.dimension_semantics<arbitrary>], iteration_bounds = array<i64: 10>, scalar_prefetch = 0 : i64, scratch_operands = 0 : i64, tpu.core_type = #tpu.core_type<tc>, window_params = [{transform_indices = @transform_0, window_bounds = array<i64: 1, 1000, 1>}, {transform_indices = @transform_1, window_bounds = array<i64: 1000, 256>}, {pipeline_mode = #tpu.pipeline_mode<synchronous>, transform_indices = @transform_2, window_bounds = array<i64: 256, 256>}, {transform_indices = @transform_3, window_bounds = array<i64: 2, 1000, 128>}]} {
    %get3A = arith.constant 0 : index
    %get3A_0 = arith.constant 0 : index
    %get3A_1 = vector.load %arg2[%get3A, %get3A_0] : memref<1000x256xf32, #tpu.memory_space<vmem>>, vector<1000x256xf32>
    %get3A_2 = arith.constant 0 : index
    %get3A_3 = arith.constant 0 : index
    %get3A_4 = vector.load %arg3[%get3A_2, %get3A_3] : memref<256x256xf32, #tpu.memory_space<vmem>>, vector<256x256xf32>
    %dot_general3A = arith.constant dense<0.000000e+00> : vector<1000x256xf32>
    %dot_general3A_5 = tpu.matmul %get3A_1, %get3A_4, %dot_general3A {dimension_numbers = #tpu.dot_dimension_numbers<[1], [0], [0], [1], [0, 0, 1, 1], [], []>, transpose_lhs_hint = false} : vector<1000x256xf32>, vector<256x256xf32>, vector<1000x256xf32> -> vector<1000x256xf32>
    %get3A_6 = arith.constant 0 : index
    %get3A_7 = arith.constant 0 : index
    %get3A_8 = arith.constant 0 : index
    %get3A_9 = vector.load %arg1[%get3A_6, %get3A_7, %get3A_8] : memref<1x1000x1xf32, #tpu.memory_space<vmem>>, vector<1x1000x1xf32>
    %get3A_10 = vector.shape_cast %get3A_9 : vector<1x1000x1xf32> to vector<1000x1xf32>
    %max3A = arith.constant 1.000000e+00 : f32
    %max3A_11 = vector.broadcast %max3A : f32 to vector<1000x1xf32>
    %max3A_12 = arith.maximumf %get3A_10, %max3A_11 : vector<1000x1xf32>
    %rsqrt3A = math.rsqrt %max3A_12 : vector<1000x1xf32>
    %mul3A = vector.broadcast %rsqrt3A : vector<1000x1xf32> to vector<1000x256xf32>
    %mul3A_13 = arith.mulf %dot_general3A_5, %mul3A : vector<1000x256xf32>
    %slice3A = vector.extract_strided_slice %mul3A_13 {offsets = [0, 0], sizes = [1000, 128], strides = [1, 1]} : vector<1000x256xf32> to vector<1000x128xf32>
    %swap3A = arith.constant 0 : index
    %swap3A_14 = arith.constant 0 : index
    %swap3A_15 = arith.constant 0 : index
    %swap3A_16 = vector.load %arg4[%swap3A, %swap3A_14, %swap3A_15] : memref<2x1000x128xf32, #tpu.memory_space<vmem>>, vector<1x1000x128xf32>
    %swap3A_17 = vector.shape_cast %swap3A_16 : vector<1x1000x128xf32> to vector<1000x128xf32>
    %swap3A_18 = vector.shape_cast %slice3A : vector<1000x128xf32> to vector<1x1000x128xf32>
    tpu.vector_store %arg4[%swap3A, %swap3A_14, %swap3A_15], %swap3A_18 {strides = array<i32>} : memref<2x1000x128xf32, #tpu.memory_space<vmem>>, vector<1x1000x128xf32>,
    %slice3A_19 = vector.extract_strided_slice %mul3A_13 {offsets = [0, 128], sizes = [1000, 128], strides = [1, 1]} : vector<1000x256xf32> to vector<1000x128xf32>
    %swap3A_20 = arith.constant 1 : index
    %swap3A_21 = arith.constant 0 : index
    %swap3A_22 = arith.constant 0 : index
    %swap3A_23 = vector.load %arg4[%swap3A_20, %swap3A_21, %swap3A_22] : memref<2x1000x128xf32, #tpu.memory_space<vmem>>, vector<1x1000x128xf32>
    %swap3A_24 = vector.shape_cast %swap3A_23 : vector<1x1000x128xf32> to vector<1000x128xf32>
    %swap3A_25 = vector.shape_cast %slice3A_19 : vector<1000x128xf32> to vector<1x1000x128xf32>
    tpu.vector_store %arg4[%swap3A_20, %swap3A_21, %swap3A_22], %swap3A_25 {strides = array<i32>} : memref<2x1000x128xf32, #tpu.memory_space<vmem>>, vector<1x1000x128xf32>,
    return
  }
  func.func @transform_0(%arg0: i32) -> (i32, i32, i32) {
    %c0_i32 = arith.constant 0 : i32
    %c0_i32_0 = arith.constant 0 : i32
    %c0_i32_1 = arith.constant 0 : i32
    return %c0_i32, %arg0, %c0_i32_0 : i32, i32, i32
  }
  func.func @transform_1(%arg0: i32) -> (i32, i32) {
    %c0_i32 = arith.constant 0 : i32
    %c0_i32_0 = arith.constant 0 : i32
    return %arg0, %c0_i32 : i32, i32
  }
  func.func @transform_2(%arg0: i32) -> (i32, i32) {
    %c0_i32 = arith.constant 0 : i32
    %c0_i32_0 = arith.constant 0 : i32
    %c0_i32_1 = arith.constant 0 : i32
    return %c0_i32, %c0_i32_0 : i32, i32
  }
  func.func @transform_3(%arg0: i32) -> (i32, i32, i32) {
    %c0_i32 = arith.constant 0 : i32
    %c0_i32_0 = arith.constant 0 : i32
    %c0_i32_1 = arith.constant 0 : i32
    return %c0_i32, %arg0, %c0_i32_0 : i32, i32, i32
  }
}

module attributes {stable_mosaic.version = 14 : i64} {
  func.func @_post_body(%arg0: i32, %arg1: memref<2x1000x128xf32, #tpu.memory_space<vmem>>, %arg2: memref<1x1000x1xf32, #tpu.memory_space<vmem>>, %arg3: memref<1000x256xf32, #tpu.memory_space<vmem>>) attributes {dimension_semantics = [#tpu.dimension_semantics<arbitrary>], iteration_bounds = array<i64: 10>, scalar_prefetch = 0 : i64, scratch_operands = 0 : i64, tpu.core_type = #tpu.core_type<tc>, window_params = [{transform_indices = @transform_0, window_bounds = array<i64: 2, 1000, 128>}, {transform_indices = @transform_1, window_bounds = array<i64: 1, 1000, 1>}, {transform_indices = @transform_2, window_bounds = array<i64: 1000, 256>}]} {
    %get3A = arith.constant 0 : index
    %get3A_0 = arith.constant 0 : index
    %get3A_1 = arith.constant 0 : index
    %get3A_2 = vector.load %arg2[%get3A, %get3A_0, %get3A_1] : memref<1x1000x1xf32, #tpu.memory_space<vmem>>, vector<1x1000x1xf32>
    %get3A_3 = vector.shape_cast %get3A_2 : vector<1x1000x1xf32> to vector<1000x1xf32>
    %max3A = arith.constant 1.000000e+00 : f32
    %max3A_4 = vector.broadcast %max3A : f32 to vector<1000x1xf32>
    %max3A_5 = arith.maximumf %get3A_3, %max3A_4 : vector<1000x1xf32>
    %rsqrt3A = math.rsqrt %max3A_5 : vector<1000x1xf32>
    %get3A_6 = arith.constant 0 : index
    %get3A_7 = arith.constant 0 : index
    %get3A_8 = arith.constant 0 : index
    %get3A_9 = vector.load %arg1[%get3A_6, %get3A_7, %get3A_8] : memref<2x1000x128xf32, #tpu.memory_space<vmem>>, vector<1x1000x128xf32>
    %get3A_10 = vector.shape_cast %get3A_9 : vector<1x1000x128xf32> to vector<1000x128xf32>
    %slice3A = vector.extract_strided_slice %get3A_10 {offsets = [0, 0], sizes = [1000, 64], strides = [1, 1]} : vector<1000x128xf32> to vector<1000x64xf32>
    %mul3A = vector.broadcast %rsqrt3A : vector<1000x1xf32> to vector<1000x64xf32>
    %mul3A_11 = arith.mulf %slice3A, %mul3A : vector<1000x64xf32>
    %swap3A = arith.constant 0 : index
    %swap3A_12 = arith.constant 0 : index
    %swap3A_13 = vector.load %arg3[%swap3A, %swap3A_12] : memref<1000x256xf32, #tpu.memory_space<vmem>>, vector<1000x64xf32>
    tpu.vector_store %arg3[%swap3A, %swap3A_12], %mul3A_11 {strides = array<i32>} : memref<1000x256xf32, #tpu.memory_space<vmem>>, vector<1000x64xf32>,
    %get3A_14 = arith.constant 0 : index
    %get3A_15 = arith.constant 0 : index
    %get3A_16 = arith.constant 0 : index
    %get3A_17 = vector.load %arg1[%get3A_14, %get3A_15, %get3A_16] : memref<2x1000x128xf32, #tpu.memory_space<vmem>>, vector<1x1000x128xf32>
    %get3A_18 = vector.shape_cast %get3A_17 : vector<1x1000x128xf32> to vector<1000x128xf32>
    %slice3A_19 = vector.extract_strided_slice %get3A_18 {offsets = [0, 64], sizes = [1000, 64], strides = [1, 1]} : vector<1000x128xf32> to vector<1000x64xf32>
    %mul3A_20 = vector.broadcast %rsqrt3A : vector<1000x1xf32> to vector<1000x64xf32>
    %mul3A_21 = arith.mulf %slice3A_19, %mul3A_20 : vector<1000x64xf32>
    %swap3A_22 = arith.constant 0 : index
    %swap3A_23 = arith.constant 64 : index
    %swap3A_24 = vector.load %arg3[%swap3A_22, %swap3A_23] : memref<1000x256xf32, #tpu.memory_space<vmem>>, vector<1000x64xf32>
    tpu.vector_store %arg3[%swap3A_22, %swap3A_23], %mul3A_21 {strides = array<i32>} : memref<1000x256xf32, #tpu.memory_space<vmem>>, vector<1000x64xf32>,
    %get3A_25 = arith.constant 1 : index
    %get3A_26 = arith.constant 0 : index
    %get3A_27 = arith.constant 0 : index
    %get3A_28 = vector.load %arg1[%get3A_25, %get3A_26, %get3A_27] : memref<2x1000x128xf32, #tpu.memory_space<vmem>>, vector<1x1000x128xf32>
    %get3A_29 = vector.shape_cast %get3A_28 : vector<1x1000x128xf32> to vector<1000x128xf32>
    %slice3A_30 = vector.extract_strided_slice %get3A_29 {offsets = [0, 0], sizes = [1000, 64], strides = [1, 1]} : vector<1000x128xf32> to vector<1000x64xf32>
    %mul3A_31 = vector.broadcast %rsqrt3A : vector<1000x1xf32> to vector<1000x64xf32>
    %mul3A_32 = arith.mulf %slice3A_30, %mul3A_31 : vector<1000x64xf32>
    %swap3A_33 = arith.constant 0 : index
    %swap3A_34 = arith.constant 128 : index
    %swap3A_35 = vector.load %arg3[%swap3A_33, %swap3A_34] : memref<1000x256xf32, #tpu.memory_space<vmem>>, vector<1000x64xf32>
    tpu.vector_store %arg3[%swap3A_33, %swap3A_34], %mul3A_32 {strides = array<i32>} : memref<1000x256xf32, #tpu.memory_space<vmem>>, vector<1000x64xf32>,
    %get3A_36 = arith.constant 1 : index
    %get3A_37 = arith.constant 0 : index
    %get3A_38 = arith.constant 0 : index
    %get3A_39 = vector.load %arg1[%get3A_36, %get3A_37, %get3A_38] : memref<2x1000x128xf32, #tpu.memory_space<vmem>>, vector<1x1000x128xf32>
    %get3A_40 = vector.shape_cast %get3A_39 : vector<1x1000x128xf32> to vector<1000x128xf32>
    %slice3A_41 = vector.extract_strided_slice %get3A_40 {offsets = [0, 64], sizes = [1000, 64], strides = [1, 1]} : vector<1000x128xf32> to vector<1000x64xf32>
    %mul3A_42 = vector.broadcast %rsqrt3A : vector<1000x1xf32> to vector<1000x64xf32>
    %mul3A_43 = arith.mulf %slice3A_41, %mul3A_42 : vector<1000x64xf32>
    %swap3A_44 = arith.constant 0 : index
    %swap3A_45 = arith.constant 192 : index
    %swap3A_46 = vector.load %arg3[%swap3A_44, %swap3A_45] : memref<1000x256xf32, #tpu.memory_space<vmem>>, vector<1000x64xf32>
    tpu.vector_store %arg3[%swap3A_44, %swap3A_45], %mul3A_43 {strides = array<i32>} : memref<1000x256xf32, #tpu.memory_space<vmem>>, vector<1000x64xf32>,
    return
  }
  func.func @transform_0(%arg0: i32) -> (i32, i32, i32) {
    %c0_i32 = arith.constant 0 : i32
    %c0_i32_0 = arith.constant 0 : i32
    %c0_i32_1 = arith.constant 0 : i32
    return %c0_i32, %arg0, %c0_i32_0 : i32, i32, i32
  }
  func.func @transform_1(%arg0: i32) -> (i32, i32, i32) {
    %c1_i32 = arith.constant 1 : i32
    %c0_i32 = arith.constant 0 : i32
    %c0_i32_0 = arith.constant 0 : i32
    return %c1_i32, %arg0, %c0_i32 : i32, i32, i32
  }
  func.func @transform_2(%arg0: i32) -> (i32, i32) {
    %c0_i32 = arith.constant 0 : i32
    %c0_i32_0 = arith.constant 0 : i32
    return %arg0, %c0_i32 : i32, i32
  }
}

</mosaic_0001>

<sc_bundles>
// kernel: kernel.6.cloned.1.call-start
scs
__scs_entry_jumppad:
0x0: {  	(pc) =	sbr.rel $0x88, $3  }
0x1: {  	(tag) =	ssettag $0x0;
	lr =	simm.s32 $0x1  }
0x2: {  	[smem:$0x3F9E] =	sst lr;
	_ =	strace $0xD0000000  }
0x3: {  	_ = 	snop  }
0x4: {  	_ = 	snop  }
0x5: {  	_ = 	snop  }
0x6: {  	_ = 	snop  }
0x7: {  	_ = 	snop  }
__scs_overlays_trampoline_lowered:
0x8: {  	[smem:$0x3FAD] =	sst s0  }
0x9: {  	[smem:$0x3FAE] =	sst s1  }
0xa: {  	[smem:$0x3FAF] =	sst s2  }
0xb: {  	[smem:$0x3FB0] =	sst s3  }
0xc: {  	[smem:$0x3FB1] =	sst s4  }
0xd: {  	[smem:$0x3FB2] =	sst s5  }
0xe: {  	[smem:$0x3FB3] =	sst s6  }
0xf: {  	[smem:$0x3FB4] =	sst s7  }
0x10: {  	[smem:$0x3FB5] =	sst s8  }
0x11: {  	[smem:$0x3FB6] =	sst s9;
	s0 =	simm.s32 @!p0 $0x0  }
0x12: {  	s1 =	sld [smem:$0x3F9C];
	s0 =	simm.s32 @p0 $0x1  }
0x13: {  	[smem:$0x3FB7] =	sst s0;
	s0 =	simm.s32 @!p1 $0x0  }
0x14: {  	s2 =	sld [smem:$0x3F9B];
	s0 =	simm.s32 @p1 $0x1  }
0x15: {  	[smem:$0x3FB8] =	sst s0;
	s0 =	simm.s32 @!p2 $0x0  }
0x16: {  	s3 =	sld [smem:$0x3FDB];
	s0 =	simm.s32 @p2 $0x1  }
0x17: {  	s4 =	simm.s32 $0x1BF5;
	[smem:$0x3FBA] =	sst s0  }
0x18: {  	s0 =	sld [smem:$0x3F9D];
	_ =	swait.ge [sflag:s4], $0x0  }
0x19: {  	s7 =	sld [smem:$0x3F9E]  }
0x1a: {  	s8 =	sadd.s32 $0xFFFFE003, lr  }
0x1b: {  	s9 =	sadd.s32 $0xFFFFFEF7, lr;
	s5 =	simm.s32 $0xFFFFFFFF;
	p2 =	slt.u32 s8, $0xFFFFF086  }
0x1c: {  	p1 =	slt.u32 s9, $0xF7A;
	s5 =	simm.s32 @!p2 $0x0  }
0x1d: {  	s5 =	simm.s32 @p1 $0x1;
	p0 =	seq.s32 s7, s2  }
0x1e: {  	s7 =	smul.u32 @!p0 $0xF7A, s2;
	p2 =	seq.s32 @!p0 s5, $0x0  }
0x1f: {  	s9 =	smul.u32 $0xF7A, s1;
	s8 =	simm.s32 @!p0 $0x1BF5;
	p2 =	por !p2, p0  }
0x20: {  	[sflag:s8] =	ssyncset.s32 @!p0 $0xFFFFF086;
	s6 =	sadd.s32 @!p0 s3, s7;
	s7 =	simm.s32 @!p0 $0x108  }
0x21: {  	s3 =	sadd.s32 s3, s9;
	s6 =	sadd.s32 @!p0 $0x88, s6;
	s7 =	simm.s32 @p2 $0x1082  }
0x22: {  	[simem:s7], [sflag:s8] =	dma.local @!p0 [hbm:s6], $0xF7A  }
0x23: {  	s9 =	sor.u32 $0xD0000000, s2;
	s6 =	simm.s32 $0x108;
	_ =	swait.ge @!p0 [sflag:s8], $0x0  }
0x24: {  	s3 =	sadd.s32 $0x88, s3;
	s6 =	simm.s32 @!p1 $0x1082;
	[sflag:s4] =	ssyncset.s32 $0xFFFFF086  }
0x25: {  	[simem:s6], [sflag:s4] =	dma.local [hbm:s3], $0xF7A  }
0x26: {  	[smem:$0x3F9E] =	sst s1;
	(tag) =	ssettag s2;
	_ =	strace s9  }
0x27: {  	s1 =	sld [smem:$0x3FAE]  }
0x28: {  	s2 =	sld [smem:$0x3FAF]  }
0x29: {  	s4 =	sld [smem:$0x3FB1]  }
0x2a: {  	p0 =	seq.s32 s5, $0x0;
	s5 =	sld [smem:$0x3FB2]  }
0x2b: {  	s6 =	sld [smem:$0x3FB3]  }
0x2c: {  	s7 =	sld [smem:$0x3FB4]  }
0x2d: {  	s3 =	simm.s32 $0x108;
	s8 =	sld [smem:$0x3FB5]  }
0x2e: {  	s3 =	simm.s32 @!p0 $0x1082;
	s9 =	sld [smem:$0x3FB6]  }
0x2f: {  	lr =	sadd.s32 s0, s3;
	s0 =	sld [smem:$0x3FAD]  }
0x30: {  	s3 =	sld [smem:$0x3FB0]  }
0x31: {  	[smem:$0x3FB9] =	sst s10  }
0x32: {  	s10 =	sld [smem:$0x3FB7];
	_ =	sdelay $0x3  }
0x33: {  	p0 =	seq.s32 s10, $0x1;
	s10 =	sld [smem:$0x3FB9];
	_ =	sdelay $0x3  }
0x34: {  	[smem:$0x3FB9] =	sst s10  }
0x35: {  	s10 =	sld [smem:$0x3FB8];
	_ =	sdelay $0x3  }
0x36: {  	p1 =	seq.s32 s10, $0x1;
	s10 =	sld [smem:$0x3FB9];
	_ =	sdelay $0x3  }
0x37: {  	[smem:$0x3FB9] =	sst s10  }
0x38: {  	s10 =	sld [smem:$0x3FBA]  }
0x39: {  	_ = 	snop;
	(pc) =	sbr.ind lr, $3  }
0x3a: {  	_ = 	snop  }
0x3b: {  	_ = 	snop  }
0x3c: {  	p2 =	seq.s32 s10, $0x1;
	s10 =	sld [smem:$0x3FB9]  }
0x3d: {  	_ =	shalt  }
0x3e: {  	_ =	shalt  }
0x3f: {  	_ =	shalt  }
0x40: {  	_ =	shalt  }
0x41: {  	_ =	shalt  }
0x42: {  	_ =	shalt  }
0x43: {  	_ =	shalt  }
0x44: {  	_ =	shalt  }
0x45: {  	_ =	shalt  }
0x46: {  	_ =	shalt  }
0x47: {  	_ =	shalt  }
0x48: {  	_ =	shalt  }
0x49: {  	_ =	shalt  }
0x4a: {  	_ =	shalt  }
0x4b: {  	_ =	shalt  }
0x4c: {  	_ =	shalt  }
0x4d: {  	_ =	shalt  }
0x4e: {  	_ =	shalt  }
0x4f: {  	_ =	shalt  }
0x50: {  	_ =	shalt  }
0x51: {  	_ =	shalt  }
0x52: {  	_ =	shalt  }
0x53: {  	_ =	shalt  }
0x54: {  	_ =	shalt  }
0x55: {  	_ =	shalt  }
0x56: {  	_ =	shalt  }
0x57: {  	_ =	shalt  }
0x58: {  	_ =	shalt  }
0x59: {  	_ =	shalt  }
0x5a: {  	_ =	shalt  }
0x5b: {  	_ =	shalt  }
0x5c: {  	_ =	shalt  }
0x5d: {  	_ =	shalt  }
0x5e: {  	_ =	shalt  }
0x5f: {  	_ =	shalt  }
0x60: {  	_ =	shalt  }
0x61: {  	_ =	shalt  }
0x62: {  	_ =	shalt  }
0x63: {  	_ =	shalt  }
0x64: {  	_ =	shalt  }
0x65: {  	_ =	shalt  }
0x66: {  	_ =	shalt  }
0x67: {  	_ =	shalt  }
0x68: {  	_ =	shalt  }
0x69: {  	_ =	shalt  }
0x6a: {  	_ =	shalt  }
0x6b: {  	_ =	shalt  }
0x6c: {  	_ =	shalt  }
0x6d: {  	_ =	shalt  }
0x6e: {  	_ =	shalt  }
0x6f: {  	_ =	shalt  }
0x70: {  	_ =	shalt  }
0x71: {  	_ =	shalt  }
0x72: {  	_ =	shalt  }
0x73: {  	_ =	shalt  }
0x74: {  	_ =	shalt  }
0x75: {  	_ =	shalt  }
0x76: {  	_ =	shalt  }
0x77: {  	_ =	shalt  }
0x78: {  	_ =	shalt  }
0x79: {  	_ =	shalt  }
0x7a: {  	_ =	shalt  }
0x7b: {  	_ =	shalt  }
0x7c: {  	_ =	shalt  }
0x7d: {  	_ =	shalt  }
0x7e: {  	_ =	shalt  }
0x7f: {  	_ =	shalt  }
0x80: {  	_ =	shalt  }
0x81: {  	_ =	shalt  }
0x82: {  	_ =	shalt  }
0x83: {  	_ =	shalt  }
0x84: {  	_ =	shalt  }
0x85: {  	_ =	shalt  }
0x86: {  	_ =	shalt  }
0x87: {  	_ =	shalt  }
.Lfunc_end0:
.L_simem_size_0:
called_computation_lowered:
.L_overlay_start_0:
0x88: {  	s2 =	sld [smem:$0x3FD9]  }
0x89: {  	s3 =	sld [smem:$0x3FFE];
	_ =	sdelay $0x1  }
0x8a: {  	s1 =	srdreg.scid  }
0x8b: {  	s0 =	sand.u32 $0x1, s1  }
0x8c: {  	s17 =	sshll.u32 s0, $0xA;
	s2 =	sadd.s32 s3, s2  }
0x8d: {  	s2 =	sadd.s32 s2, s17  }
0x8e: {  	[smem:$0x3FC5] =	sst s2  }
0x8f: {  	_ = 	snop  }
0x90: {  	s2 =	sld [smem:$0x3FD0];
	(tm) =	ssettm $0x1  }
0x91: {  	s18 =	sld [smem:$0x3FFB];
	_ =	sdelay $0x3  }
0x92: {  	_ =	strace s18  }
0x93: {  	s3 =	sld [smem:$0x3FFC];
	_ =	sdelay $0x3  }
0x94: {  	_ =	strace s3  }
0x95: {  	s3 =	sld [smem:$0x3FFD];
	_ =	sdelay $0x3  }
0x96: {  	_ =	strace s3  }
0x97: {  	_ =	strace $0x8FFFFFFF  }
0x98: {  	s19 =	sld [smem:$0x3FDB];
	_ =	sdelay $0x1  }
0x99: {  	s4 =	simm.s32 $_scs_section_size  }
0x9a: {  	s5 =	simm.s32 $_size__tile_overlayer_lowered;
	s6 =	simm.s32 $_tile_overlayer_lowered  }
0x9b: {  	s22 =	simm.s32 $0x1BFF;
	s21 =	sshll.u32 s6, $0x1;
	s3 =	sadd.s32 s4, s19  }
0x9c: {  	s7 =	simm.s32 $0x0;
	s20 =	sshll.u32 s5, $0x1;
	s5 =	sadd.s32 s21, s3  }
0x9d: {  	[timem:s7], [sflag:s22] =	dma.local [hbm:s5], s20  }
0x9e: {  	_ =	swait.ge [sflag:s22], s20  }
0x9f: {  	s4 =	ssub.s32 $0x0, s20;
	[sflag:s22] =	ssyncset.done $0x0  }
0xa0: {  	[sflag:s22] =	ssyncadd.s32 s4;
	_ =	sdelay $0x1  }
0xa1: {  	s23 =	simm.s32 $0x1B8B  }
0xa2: {  	_ =	swait.ge [sflag:s23], $0x1  }
0xa3: {  	[sflag:s23] =	ssyncset.done $0x0  }
0xa4: {  	s25 =	simm.s32 $0x1B8E;
	s24 =	sld [smem:$0x3FFE];
	[sflag:s23] =	ssyncadd.s32 $0xFFFFFFFF  }
0xa5: {  	s26 =	simm.s32 $execute0_lowered;
	[smem:$0x3FD2] =	sst s25  }
0xa6: {  	s5 =	sshll.u32 s26, $0x1;
	_ =	strace $0x80000046;
	[dreg:$0x1] =	wrdreg $0xFFFFFFFF  }
0xa7: {  	s28 =	simm.s32 $_size_execute0_lowered;
	s3 =	sadd.s32 s3, s5;
	[dreg:$0x0] =	wrdreg $0x0  }
0xa8: {  	s5 =	sshll.u32 s28, $0x1;
	[dreg:$0x2] =	wrdreg s3  }
0xa9: {  	[dreg:$0x3] =	wrdreg s5  }
0xaa: {  	[dreg:$0x4] =	wrdreg $0xC0  }
0xab: {  	_ =	task [dreg:s7], $0x5FFFF  }
0xac: {  	[dreg:$0x1] =	wrdreg $0xFFFFFFFF  }
0xad: {  	[dreg:$0x0] =	wrdreg $0x60  }
0xae: {  	[dreg:$0x2] =	wrdreg s2  }
0xaf: {  	[dreg:$0x3] =	wrdreg s24  }
0xb0: {  	[dreg:$0x4] =	wrdreg $0x40800  }
0xb1: {  	[dreg:$0x5] =	wrdreg $0x9  }
0xb2: {  	_ =	task.clear_ibuf [dreg:s7], $0x6FFFF;
	_ =	strace $0x90000046  }
0xb3: {  	s29 =	simm.s32 $0x9;
	_ =	strace $0x80000048  }
0xb4: {  	_ =	swait.ge [sflag:s29], $0x1  }
0xb5: {  	[sflag:s29] =	ssyncadd.s32 $0xFFFFFFFF  }
0xb6: {  	_ =	strace $0x90000048  }
0xb7: {  	_ =	sfence  }
0xb8: {  	s30 =	sld [smem:$0x0];
	_ =	sdelay $0x2  }
0xb9: {  	s31 =	sshll.u32 s1, $0xD;
	s1 =	sshrl.u32 s1, $0x2  }
0xba: {  	s3 =	sand.u32 $0x4000, s31;
	s1 =	sadd.s32 s1, s30  }
0xbb: {  	s0 =	sor.u32 s3, s0;
	s1 =	sshll.u32 s1, $0x11  }
0xbc: {  	s0 =	sor.u32 s1, s0  }
0xbd: {  	s0 =	sadd.s32 $0x8F2B, s0  }
0xbe: {  	[sflag:s0] =	ssyncadd.remote.s32 $0x1  }
0xbf: {  	_ =	sfence.sel $0xFFFF  }
0xc0: {  	[dreg:$0x0] =	wrdreg $0xFFFFFFFF;
	(pc) =	sbr.abs _section_cstart, $3  }
0xc1: {  	[dreg:$0x1] =	wrdreg $0xFFFFFFFF  }
0xc2: {  	_ =	task.clear_ibuf [dreg:s7], $0x2FFFF;
	_ =	strace $0x9FFFFFFF  }
0xc3: {  	(tm) =	ssettm $0x7FFFFFFF  }
tec
execute0_lowered:
.L_overlay_start_1:
0x0: {  	(tag) =	ssettag $0x1  }
0x1: {  	s6 =	rddreg [dreg:$0x0]  }
0x2: {  	s7 =	rddreg [dreg:$0x1]  }
0x3: {  	s2 =	rddreg [dreg:$0x2]  }
0x4: {  	s0 =	rddreg [dreg:$0x3];
	s3 =	simm.s32 $0x0;
	s4 =	srdreg.scid  }
0x5: {  	s1 =	stileid.u32;
	s13 =	simm.s32 $0x50;
	s14 =	simm.s32 $0x1  }
0x6: {  	s15 =	simm.s32 $0x20;
	s16 =	simm.s32 $0x10;
	s17 =	simm.s32 $0x0  }
0x7: {  	[smem:$0x7FF] =	sst s3;
	s8 =	sand.u32 $0x1, s4;
	s9 =	smul.u32 $0x500, s1  }
0x8: {  	s4 =	sadd.s32 $0x2800, s7;
	s5 =	sadd.s32 $0x2A00, s7;
	s11 =	smul.u32 $0xA00, s1  }
0x9: {  	s12 =	sshll.u32 s1, $0xB;
	s31 =	sshll.u32 s1, $0x6;
	_ =	strace $0x80000047  }
0xa: {  	s10 =	sshll.u32 s8, $0x7;
	s28 =	ssub.s32 $0x2, s8;
	s8 =	sshll.u32 s8, $0xF  }
0xb: {  	s6 =	sadd.s32 s6, s12;
	s9 =	sor.u32 s10, s9;
	s29 =	sshrl.u32 s28, $0x1  }
0xc: {  	s11 =	sshrl.u32 s11, $0x2;
	s6 =	sadd.s32 s8, s6;
	s10 =	simm.s32 $0x4000  }
0xd: {  	s9 =	sshrl.u32 s9, $0x3;
	s30 =	sadd.s32 s11, s2;
	s11 =	sor.u32 $0x1C02, s31  }
0xe: {  	s7 =	sadd.s32 s9, s7;
	s9 =	ssub.s32 s28, s29;
	s12 =	sshrl.u32 s30, $0x3  }
0xf: {  	s7 =	sadd.s32 $0x2C00, s7;
	s8 =	smax.u32 s9, $0x1;
	s9 =	simm.s32 $0x2  }
.LBB2_1:
0x10: {  	[tilespmem:s3], [sflag:$0x2] =	stream.linear.gather [hbm4b:s6+s3], $0x3E80, $0x38;
	[tilespmem:$0x4300] =	vst v63  }
0x11: {  	_ =	swait.ge [sflag:s9], $0x3E80  }
0x12: {  	[sflag:s9] =	ssyncset.done $0x0  }
0x13: {  	[sflag:s9] =	ssyncadd.s32 $0xFFFFC180  }
0x14: {  	[tilespmem:s10], [sflag:$0x2] =	stream.linear.gather [hbm4b:s4+s3], $0x80, $0x38;
	[tilespmem:$0x4300] =	vst v63  }
0x15: {  	_ =	swait.ge [sflag:s9], $0x80  }
0x16: {  	[sflag:s9] =	ssyncset.done $0x0  }
0x17: {  	[sflag:s9] =	ssyncadd.s32 $0xFFFFFF80  }
0x18: {  	[spmem:s12], [sflag:s11] =	dma.local [hbm:s5], $0x50  }
0x19: {  	_ =	swait.ge [sflag:s9], $0x50  }
0x1a: {  	[sflag:s9] =	ssyncset.done $0x0  }
0x1b: {  	[sflag:s9] =	ssyncadd.s32 $0xFFFFFFB0  }
0x1c: {  	s18 =	simm.s32 $0x0;
	[bflag:$0x0] =	sbarrier.arrive $0xFFFF  }
.LBB2_2:
0x1d: {  	p0 =	sne.s32 s18, $0xF800  }
.Ltmp0:
0x1e: {  	_ = 	snop;
	(pc) =	sbr.rel @p0 .LBB2_2-.Ltmp0, $3  }
0x1f: {  	_ =	sdelay $0x1  }
0x20: {  	s19 =	sshra.s32 s18, $0x2;
	s18 =	sadd.s32 $0x200, s18  }
0x21: {  	[spmem:s2] =	stream.indirect.scatter.add.f32 [tilespmem:s10], [sflag:$0x1], $0x1, s19, s13, $0xb8;
	[tilespmem:$0x4300] =	vst v63  }
0x22: {  	_ =	swait.ge [sflag:s14], $0x50  }
0x23: {  	s18 =	simm.s32 $0x7C;
	[sflag:s14] =	ssyncset.done $0x0  }
.LBB2_4:
0x24: {  	p0 =	sne.s32 s18, $0x1;
	s18 =	sadd.s32 $0xFFFFFFFF, s18;
	[sflag:s14] =	ssyncadd.s32 $0xFFFFFFB0  }
.Ltmp1:
0x25: {  	(pc) =	sbr.rel @p0 .LBB2_4-.Ltmp1, $3  }
0x26: {  	_ =	sdelay $0x1  }
0x27: {  	_ =	swait.ge [sflag:s14], $0x50  }
0x28: {  	[sflag:s14] =	ssyncset.done $0x0  }
0x29: {  	s17 =	sadd.s32 $0x1, s17  }
0x2a: {  	[sflag:s14] =	ssyncadd.s32 $0xFFFFFFB0;
	p0 =	sne.s32 s17, s8  }
.Ltmp2:
0x2b: {  	[bflag:$0x0] =	sbarrier.arrive $0xFFFF;
	(pc) =	sbr.rel @p0 .LBB2_1-.Ltmp2, $4  }
0x2c: {  	[hbm:s7@s15], [sflag:s11] =	dma.strided [spmem:s12@s16], $0x50, s14, $0x10   }
0x2d: {  	_ =	swait.ge [sflag:s9], $0x50  }
0x2e: {  	[sflag:s9] =	ssyncset.done $0x0  }
0x2f: {  	[sflag:s9] =	ssyncadd.s32 $0xFFFFFFB0  }
0x30: {  	_ =	sfence.sel $0x180000  }
0x31: {  	[bflag:$0x0] =	sbarrier.arrive $0xFFFF  }
0x32: {  	p0 =	sne.s32 s1, $0x0;
	_ =	strace $0x90000047  }
0x33: {  	s0 =	sadd.s32 @!p0 $0x100000, s0;
	[bflag:$0x2] =	sbarrier.arrive $0xFFFF  }
0x34: {  	[sflag:s0] =	ssyncadd.tile.s32 @!p0 $0x1;
	_ =	shalt  }
.Lfunc_end2:
_tile_overlayer_lowered:
.L_overlay_start_2:
0x35: {  	(tag) =	ssettag $0x2  }
0x36: {  	s0 =	rddreg [dreg:$0x0];
	s2 =	stileid.u32  }
0x37: {  	s1 =	rddreg [dreg:$0x1];
	p0 =	sne.s32 s2, $0x0  }
0x38: {  	s3 =	rddreg [dreg:$0x2];
	[bflag:$0x3] =	sbarrier.arrive $0xFFFF;
	s2 =	simm.s32 @!p0 $0x1C02  }
0x39: {  	[timem:s3], [sflag:s2] =	dma.local @!p0 [hbm:s0], s1  }
0x3a: {  	s0 =	simm.s32 @!p0 $0x2  }
0x3b: {  	_ =	swait.ge @!p0 [sflag:s0], s1  }
0x3c: {  	s1 =	ssub.s32 @!p0 $0x0, s1;
	[sflag:s0] =	ssyncset.done @!p0 $0x0  }
0x3d: {  	[sflag:s0] =	ssyncadd.s32 @!p0 s1  }
0x3e: {  	[bflag:$0x3] =	sbarrier.arrive $0xFFFF  }
0x3f: {  	_ =	shalt  }

// kernel: kernel.9.cloned.1.call-start
scs
__scs_entry_jumppad:
0x0: {  	(pc) =	sbr.rel $0x88, $3  }
0x1: {  	(tag) =	ssettag $0x0;
	lr =	simm.s32 $0x1  }
0x2: {  	[smem:$0x3F9E] =	sst lr;
	_ =	strace $0xD0000000  }
0x3: {  	_ = 	snop  }
0x4: {  	_ = 	snop  }
0x5: {  	_ = 	snop  }
0x6: {  	_ = 	snop  }
0x7: {  	_ = 	snop  }
__scs_overlays_trampoline_lowered:
0x8: {  	[smem:$0x3FAD] =	sst s0  }
0x9: {  	[smem:$0x3FAE] =	sst s1  }
0xa: {  	[smem:$0x3FAF] =	sst s2  }
0xb: {  	[smem:$0x3FB0] =	sst s3  }
0xc: {  	[smem:$0x3FB1] =	sst s4  }
0xd: {  	[smem:$0x3FB2] =	sst s5  }
0xe: {  	[smem:$0x3FB3] =	sst s6  }
0xf: {  	[smem:$0x3FB4] =	sst s7  }
0x10: {  	[smem:$0x3FB5] =	sst s8  }
0x11: {  	[smem:$0x3FB6] =	sst s9;
	s0 =	simm.s32 @!p0 $0x0  }
0x12: {  	s1 =	sld [smem:$0x3F9C];
	s0 =	simm.s32 @p0 $0x1  }
0x13: {  	[smem:$0x3FB7] =	sst s0;
	s0 =	simm.s32 @!p1 $0x0  }
0x14: {  	s2 =	sld [smem:$0x3F9B];
	s0 =	simm.s32 @p1 $0x1  }
0x15: {  	[smem:$0x3FB8] =	sst s0;
	s0 =	simm.s32 @!p2 $0x0  }
0x16: {  	s3 =	sld [smem:$0x3FDB];
	s0 =	simm.s32 @p2 $0x1  }
0x17: {  	s4 =	simm.s32 $0x1BF5;
	[smem:$0x3FBA] =	sst s0  }
0x18: {  	s0 =	sld [smem:$0x3F9D];
	_ =	swait.ge [sflag:s4], $0x0  }
0x19: {  	s7 =	sld [smem:$0x3F9E]  }
0x1a: {  	s8 =	sadd.s32 $0xFFFFE003, lr  }
0x1b: {  	s9 =	sadd.s32 $0xFFFFFEF7, lr;
	s5 =	simm.s32 $0xFFFFFFFF;
	p2 =	slt.u32 s8, $0xFFFFF086  }
0x1c: {  	p1 =	slt.u32 s9, $0xF7A;
	s5 =	simm.s32 @!p2 $0x0  }
0x1d: {  	s5 =	simm.s32 @p1 $0x1;
	p0 =	seq.s32 s7, s2  }
0x1e: {  	s7 =	smul.u32 @!p0 $0xF7A, s2;
	p2 =	seq.s32 @!p0 s5, $0x0  }
0x1f: {  	s9 =	smul.u32 $0xF7A, s1;
	s8 =	simm.s32 @!p0 $0x1BF5;
	p2 =	por !p2, p0  }
0x20: {  	[sflag:s8] =	ssyncset.s32 @!p0 $0xFFFFF086;
	s6 =	sadd.s32 @!p0 s3, s7;
	s7 =	simm.s32 @!p0 $0x108  }
0x21: {  	s3 =	sadd.s32 s3, s9;
	s6 =	sadd.s32 @!p0 $0x88, s6;
	s7 =	simm.s32 @p2 $0x1082  }
0x22: {  	[simem:s7], [sflag:s8] =	dma.local @!p0 [hbm:s6], $0xF7A  }
0x23: {  	s9 =	sor.u32 $0xD0000000, s2;
	s6 =	simm.s32 $0x108;
	_ =	swait.ge @!p0 [sflag:s8], $0x0  }
0x24: {  	s3 =	sadd.s32 $0x88, s3;
	s6 =	simm.s32 @!p1 $0x1082;
	[sflag:s4] =	ssyncset.s32 $0xFFFFF086  }
0x25: {  	[simem:s6], [sflag:s4] =	dma.local [hbm:s3], $0xF7A  }
0x26: {  	[smem:$0x3F9E] =	sst s1;
	(tag) =	ssettag s2;
	_ =	strace s9  }
0x27: {  	s1 =	sld [smem:$0x3FAE]  }
0x28: {  	s2 =	sld [smem:$0x3FAF]  }
0x29: {  	s4 =	sld [smem:$0x3FB1]  }
0x2a: {  	p0 =	seq.s32 s5, $0x0;
	s5 =	sld [smem:$0x3FB2]  }
0x2b: {  	s6 =	sld [smem:$0x3FB3]  }
0x2c: {  	s7 =	sld [smem:$0x3FB4]  }
0x2d: {  	s3 =	simm.s32 $0x108;
	s8 =	sld [smem:$0x3FB5]  }
0x2e: {  	s3 =	simm.s32 @!p0 $0x1082;
	s9 =	sld [smem:$0x3FB6]  }
0x2f: {  	lr =	sadd.s32 s0, s3;
	s0 =	sld [smem:$0x3FAD]  }
0x30: {  	s3 =	sld [smem:$0x3FB0]  }
0x31: {  	[smem:$0x3FB9] =	sst s10  }
0x32: {  	s10 =	sld [smem:$0x3FB7];
	_ =	sdelay $0x3  }
0x33: {  	p0 =	seq.s32 s10, $0x1;
	s10 =	sld [smem:$0x3FB9];
	_ =	sdelay $0x3  }
0x34: {  	[smem:$0x3FB9] =	sst s10  }
0x35: {  	s10 =	sld [smem:$0x3FB8];
	_ =	sdelay $0x3  }
0x36: {  	p1 =	seq.s32 s10, $0x1;
	s10 =	sld [smem:$0x3FB9];
	_ =	sdelay $0x3  }
0x37: {  	[smem:$0x3FB9] =	sst s10  }
0x38: {  	s10 =	sld [smem:$0x3FBA]  }
0x39: {  	_ = 	snop;
	(pc) =	sbr.ind lr, $3  }
0x3a: {  	_ = 	snop  }
0x3b: {  	_ = 	snop  }
0x3c: {  	p2 =	seq.s32 s10, $0x1;
	s10 =	sld [smem:$0x3FB9]  }
0x3d: {  	_ =	shalt  }
0x3e: {  	_ =	shalt  }
0x3f: {  	_ =	shalt  }
0x40: {  	_ =	shalt  }
0x41: {  	_ =	shalt  }
0x42: {  	_ =	shalt  }
0x43: {  	_ =	shalt  }
0x44: {  	_ =	shalt  }
0x45: {  	_ =	shalt  }
0x46: {  	_ =	shalt  }
0x47: {  	_ =	shalt  }
0x48: {  	_ =	shalt  }
0x49: {  	_ =	shalt  }
0x4a: {  	_ =	shalt  }
0x4b: {  	_ =	shalt  }
0x4c: {  	_ =	shalt  }
0x4d: {  	_ =	shalt  }
0x4e: {  	_ =	shalt  }
0x4f: {  	_ =	shalt  }
0x50: {  	_ =	shalt  }
0x51: {  	_ =	shalt  }
0x52: {  	_ =	shalt  }
0x53: {  	_ =	shalt  }
0x54: {  	_ =	shalt  }
0x55: {  	_ =	shalt  }
0x56: {  	_ =	shalt  }
0x57: {  	_ =	shalt  }
0x58: {  	_ =	shalt  }
0x59: {  	_ =	shalt  }
0x5a: {  	_ =	shalt  }
0x5b: {  	_ =	shalt  }
0x5c: {  	_ =	shalt  }
0x5d: {  	_ =	shalt  }
0x5e: {  	_ =	shalt  }
0x5f: {  	_ =	shalt  }
0x60: {  	_ =	shalt  }
0x61: {  	_ =	shalt  }
0x62: {  	_ =	shalt  }
0x63: {  	_ =	shalt  }
0x64: {  	_ =	shalt  }
0x65: {  	_ =	shalt  }
0x66: {  	_ =	shalt  }
0x67: {  	_ =	shalt  }
0x68: {  	_ =	shalt  }
0x69: {  	_ =	shalt  }
0x6a: {  	_ =	shalt  }
0x6b: {  	_ =	shalt  }
0x6c: {  	_ =	shalt  }
0x6d: {  	_ =	shalt  }
0x6e: {  	_ =	shalt  }
0x6f: {  	_ =	shalt  }
0x70: {  	_ =	shalt  }
0x71: {  	_ =	shalt  }
0x72: {  	_ =	shalt  }
0x73: {  	_ =	shalt  }
0x74: {  	_ =	shalt  }
0x75: {  	_ =	shalt  }
0x76: {  	_ =	shalt  }
0x77: {  	_ =	shalt  }
0x78: {  	_ =	shalt  }
0x79: {  	_ =	shalt  }
0x7a: {  	_ =	shalt  }
0x7b: {  	_ =	shalt  }
0x7c: {  	_ =	shalt  }
0x7d: {  	_ =	shalt  }
0x7e: {  	_ =	shalt  }
0x7f: {  	_ =	shalt  }
0x80: {  	_ =	shalt  }
0x81: {  	_ =	shalt  }
0x82: {  	_ =	shalt  }
0x83: {  	_ =	shalt  }
0x84: {  	_ =	shalt  }
0x85: {  	_ =	shalt  }
0x86: {  	_ =	shalt  }
0x87: {  	_ =	shalt  }
.Lfunc_end0:
.L_simem_size_0:
called_computation.1_lowered:
.L_overlay_start_0:
0x88: {  	s2 =	sld [smem:$0x3FD9]  }
0x89: {  	s3 =	sld [smem:$0x3FFE];
	_ =	sdelay $0x1  }
0x8a: {  	s1 =	srdreg.scid  }
0x8b: {  	s0 =	sand.u32 $0x1, s1  }
0x8c: {  	s17 =	sshll.u32 s0, $0xA;
	s2 =	sadd.s32 s3, s2  }
0x8d: {  	s2 =	sadd.s32 s2, s17  }
0x8e: {  	[smem:$0x3FC5] =	sst s2  }
0x8f: {  	_ = 	snop  }
0x90: {  	s2 =	sld [smem:$0x3FD0];
	(tm) =	ssettm $0x1  }
0x91: {  	s18 =	sld [smem:$0x3FFB];
	_ =	sdelay $0x3  }
0x92: {  	_ =	strace s18  }
0x93: {  	s3 =	sld [smem:$0x3FFC];
	_ =	sdelay $0x3  }
0x94: {  	_ =	strace s3  }
0x95: {  	s3 =	sld [smem:$0x3FFD];
	_ =	sdelay $0x3  }
0x96: {  	_ =	strace s3  }
0x97: {  	_ =	strace $0x8FFFFFFF  }
0x98: {  	s19 =	sld [smem:$0x3FDB];
	_ =	sdelay $0x1  }
0x99: {  	s4 =	simm.s32 $_scs_section_size  }
0x9a: {  	s5 =	simm.s32 $_size__tile_overlayer_lowered;
	s6 =	simm.s32 $_tile_overlayer_lowered  }
0x9b: {  	s22 =	simm.s32 $0x1BFF;
	s21 =	sshll.u32 s6, $0x1;
	s3 =	sadd.s32 s4, s19  }
0x9c: {  	s7 =	simm.s32 $0x0;
	s20 =	sshll.u32 s5, $0x1;
	s5 =	sadd.s32 s21, s3  }
0x9d: {  	[timem:s7], [sflag:s22] =	dma.local [hbm:s5], s20  }
0x9e: {  	_ =	swait.ge [sflag:s22], s20  }
0x9f: {  	s4 =	ssub.s32 $0x0, s20;
	[sflag:s22] =	ssyncset.done $0x0  }
0xa0: {  	[sflag:s22] =	ssyncadd.s32 s4;
	_ =	sdelay $0x1  }
0xa1: {  	s23 =	simm.s32 $0x1B8B  }
0xa2: {  	_ =	swait.ge [sflag:s23], $0x1  }
0xa3: {  	[sflag:s23] =	ssyncset.done $0x0  }
0xa4: {  	s25 =	simm.s32 $0x1B8E;
	s24 =	sld [smem:$0x3FFE];
	[sflag:s23] =	ssyncadd.s32 $0xFFFFFFFF  }
0xa5: {  	s26 =	simm.s32 $execute0_lowered;
	[smem:$0x3FD2] =	sst s25  }
0xa6: {  	s5 =	sshll.u32 s26, $0x1;
	_ =	strace $0x80000049;
	[dreg:$0x1] =	wrdreg $0xFFFFFFFF  }
0xa7: {  	s28 =	simm.s32 $_size_execute0_lowered;
	s3 =	sadd.s32 s3, s5;
	[dreg:$0x0] =	wrdreg $0x0  }
0xa8: {  	s5 =	sshll.u32 s28, $0x1;
	[dreg:$0x2] =	wrdreg s3  }
0xa9: {  	[dreg:$0x3] =	wrdreg s5  }
0xaa: {  	[dreg:$0x4] =	wrdreg $0xC0  }
0xab: {  	_ =	task [dreg:s7], $0x5FFFF  }
0xac: {  	[dreg:$0x1] =	wrdreg $0xFFFFFFFF  }
0xad: {  	[dreg:$0x0] =	wrdreg $0x60  }
0xae: {  	[dreg:$0x2] =	wrdreg s2  }
0xaf: {  	[dreg:$0x3] =	wrdreg s24  }
0xb0: {  	[dreg:$0x4] =	wrdreg $0xB2200  }
0xb1: {  	[dreg:$0x5] =	wrdreg $0x9  }
0xb2: {  	_ =	task.clear_ibuf [dreg:s7], $0x6FFFF;
	_ =	strace $0x90000049  }
0xb3: {  	s29 =	simm.s32 $0x9;
	_ =	strace $0x8000004B  }
0xb4: {  	_ =	swait.ge [sflag:s29], $0x1  }
0xb5: {  	[sflag:s29] =	ssyncadd.s32 $0xFFFFFFFF  }
0xb6: {  	_ =	strace $0x9000004B  }
0xb7: {  	_ =	sfence  }
0xb8: {  	s30 =	sld [smem:$0x0];
	_ =	sdelay $0x2  }
0xb9: {  	s31 =	sshll.u32 s1, $0xD;
	s1 =	sshrl.u32 s1, $0x2  }
0xba: {  	s3 =	sand.u32 $0x4000, s31;
	s1 =	sadd.s32 s1, s30  }
0xbb: {  	s0 =	sor.u32 s3, s0;
	s1 =	sshll.u32 s1, $0x11  }
0xbc: {  	s0 =	sor.u32 s1, s0  }
0xbd: {  	s0 =	sadd.s32 $0x8F2B, s0  }
0xbe: {  	[sflag:s0] =	ssyncadd.remote.s32 $0x1  }
0xbf: {  	_ =	sfence.sel $0xFFFF  }
0xc0: {  	[dreg:$0x0] =	wrdreg $0xFFFFFFFF;
	(pc) =	sbr.abs _section_cstart, $3  }
0xc1: {  	[dreg:$0x1] =	wrdreg $0xFFFFFFFF  }
0xc2: {  	_ =	task.clear_ibuf [dreg:s7], $0x2FFFF;
	_ =	strace $0x9FFFFFFF  }
0xc3: {  	(tm) =	ssettm $0x7FFFFFFF  }
tec
execute0_lowered:
.L_overlay_start_1:
0x0: {  	(tag) =	ssettag $0x1  }
0x1: {  	s1 =	rddreg [dreg:$0x0]  }
0x2: {  	s0 =	rddreg [dreg:$0x1];
	s12 =	stileid.u32  }
0x3: {  	s2 =	srdreg.scid;
	s3 =	rddreg [dreg:$0x2]  }
0x4: {  	s5 =	simm.s32 $0x0;
	s11 =	simm.s32 $0x2;
	s15 =	simm.s32 $0x50  }
0x5: {  	s16 =	simm.s32 $0x4E20;
	s17 =	simm.s32 $0x6220;
	s18 =	simm.s32 $0xA0  }
0x6: {  	s19 =	simm.s32 $0x7620;
	s20 =	simm.s32 $0xF0;
	s21 =	simm.s32 $0x8A20  }
0x7: {  	s22 =	simm.s32 $0x1;
	s28 =	simm.s32 $0x4D30;
	s29 =	simm.s32 $0x4D80  }
0x8: {  	s30 =	simm.s32 $0x4DD0;
	s31 =	simm.s32 $0x10;
	s4 =	smul.u32 $0x2710, s12  }
0x9: {  	s2 =	sand.u32 $0x1, s2;
	[smem:$0x7FF] =	sst s5;
	s7 =	smul.u32 $0x14000, s12  }
0xa: {  	s5 =	sadd.s32 $0x5D400, s0;
	s9 =	smul.u32 $0x28000, s12;
	s26 =	sshll.u32 s12, $0x6  }
0xb: {  	s6 =	smul.u32 $0x140000, s2;
	_ =	strace $0x8000004A;
	s23 =	ssub.s32 $0x2, s2  }
0xc: {  	s2 =	smul.u32 $0x4E20, s2;
	s13 =	sor.u32 $0x1C02, s26;
	s26 =	simm.s32 $0x4CE0  }
0xd: {  	s4 =	sshrl.u32 s4, $0x3;
	s8 =	sshrl.u32 s23, $0x1;
	s25 =	sshrl.u32 s9, $0x2  }
0xe: {  	s4 =	sadd.s32 s4, s0;
	s6 =	sadd.s32 s7, s6;
	s10 =	ssub.s32 s23, s8  }
0xf: {  	s23 =	simm.s32 $0x9E20;
	v0 =	vmov s2;
	s2 =	simm.s32 $0x8;
	s6 =	sshrl.u32 s6, $0x3  }
0x10: {  	s24 =	sadd.s32 $0x3600, s4;
	s7 =	sadd.s32 $0x8420, s4;
	s4 =	sadd.s32 s25, s3  }
0x11: {  	s10 =	smax.u32 s10, $0x1;
	s25 =	simm.s32 $0x4C90;
	s0 =	sadd.s32 s6, s0  }
0x12: {  	[dreg:$0x4] =	wrdreg s24;
	s14 =	sshrl.u32 s4, $0x3;
	s24 =	simm.s32 $0x26C0  }
0x13: {  	s8 =	sadd.s32 $0x5E800, s0;
	s9 =	sadd.s32 $0x5E808, s0;
	s0 =	simm.s32 $0x0  }
.LBB2_1:
0x14: {  	s4 =	simm.s32 $0x0;
	s6 =	rddreg [dreg:$0x4]  }
0x15: {  	[tilespmem:s4], [sflag:$0x2] =	stream.linear.gather [hbm4b:s6+s4], $0x2710, $0x38;
	[tilespmem:$0x15220] =	vst v63  }
0x16: {  	_ =	swait.ge [sflag:s11], $0x2710  }
0x17: {  	[sflag:s11] =	ssyncset.done $0x0  }
0x18: {  	s12 =	simm.s32 $0x2710;
	[sflag:s11] =	ssyncadd.s32 $0xFFFFD8F0  }
0x19: {  	[tilespmem:s12], [sflag:$0x2] =	stream.linear.gather [hbm4b:s7+s4], $0x2710, $0x38;
	[tilespmem:$0x15220] =	vst v63  }
0x1a: {  	_ =	swait.ge [sflag:s11], $0x2710  }
0x1b: {  	[sflag:s11] =	ssyncset.done $0x0  }
0x1c: {  	s4 =	simm.s32 $0x0;
	[sflag:s11] =	ssyncadd.s32 $0xFFFFD8F0  }
0x1d: {  	v3 =	vld [tilespmem:s4+$0x0]  }
0x1e: {  	v4 =	vld [tilespmem:s4+$0x10]  }
0x1f: {  	v2 =	vld [tilespmem:s4+$0x20]  }
0x20: {  	s12 =	simm.s32 $0x140;
	v1 =	vld [tilespmem:s4+$0x30]  }
.LBB2_2:
0x21: {  	p0 =	sne.s32 s12, $0x9B00;
	v5 =	vld [tilespmem:s4+$0x40]  }
0x22: {  	v3 =	vshll.u32 v3, $0x1  }
0x23: {  	v3 =	vadd.s32 v0, v3;
	v4 =	vshll.u32 v4, $0x1  }
.Ltmp0:
0x24: {  	s6 =	sshra.s32 s12, $0x2;
	[tilespmem:s4+$0x0] =	vst v3;
	v4 =	vadd.s32 v0, v4;
	v2 =	vshll.u32 v2, $0x1;
	(pc) =	sbr.rel @p0 .LBB2_2-.Ltmp0, $4  }
0x25: {  	v3 =	vld [tilespmem:s6+$0x0];
	[tilespmem:s4+$0x10] =	vst v4;
	v2 =	vadd.s32 v0, v2;
	v1 =	vshll.u32 v1, $0x1  }
0x26: {  	v4 =	vld [tilespmem:s6+$0x10];
	[tilespmem:s4+$0x20] =	vst v2;
	v1 =	vadd.s32 v0, v1;
	v5 =	vshll.u32 v5, $0x1  }
0x27: {  	v2 =	vld [tilespmem:s6+$0x20];
	[tilespmem:s4+$0x30] =	vst v1;
	v5 =	vadd.s32 v0, v5  }
0x28: {  	s12 =	sadd.s32 $0x140, s12;
	v1 =	vld [tilespmem:s6+$0x30];
	[tilespmem:s4+$0x40] =	vst v5;
	s4 =	smov.u32 s6  }
0x29: {  	v5 =	vld [tilespmem:s4+$0x40]  }
0x2a: {  	v3 =	vshll.u32 v3, $0x1  }
0x2b: {  	v3 =	vadd.s32 v0, v3;
	v4 =	vshll.u32 v4, $0x1  }
0x2c: {  	[tilespmem:s4+$0x0] =	vst v3;
	v3 =	vadd.s32 v0, v4;
	v2 =	vshll.u32 v2, $0x1  }
0x2d: {  	[tilespmem:s4+$0x10] =	vst v3;
	v2 =	vadd.s32 v0, v2;
	v1 =	vshll.u32 v1, $0x1  }
0x2e: {  	[tilespmem:s4+$0x20] =	vst v2;
	v1 =	vadd.s32 v0, v1;
	v2 =	vshll.u32 v5, $0x1  }
0x2f: {  	[tilespmem:s4+$0x30] =	vst v1;
	v1 =	vadd.s32 v0, v2  }
0x30: {  	[tilespmem:s4+$0x40] =	vst v1  }
0x31: {  	[spmem:s14], [sflag:s13] =	dma.local [hbm:s5], $0x1400  }
0x32: {  	_ =	swait.ge [sflag:s11], $0x1400  }
0x33: {  	[sflag:s11] =	ssyncset.done $0x0  }
0x34: {  	[sflag:s11] =	ssyncadd.s32 $0xFFFFEC00  }
0x35: {  	s12 =	simm.s32 $0x0;
	[bflag:$0x0] =	sbarrier.arrive $0xFFFF  }
0x36: {  	[tilespmem:s16], [sflag:$0x1] =	stream.indirect.gather [hbm4b:s1+s15], $0x40, s12, s15, $0xb8;
	[tilespmem:$0x15220] =	vst v63  }
0x37: {  	_ = 	snop  }
0x38: {  	[tilespmem:s17], [sflag:$0x1] =	stream.indirect.gather [hbm4b:s1+s15], $0x40, s15, s15, $0xb8;
	[tilespmem:$0x15220] =	vst v63  }
0x39: {  	_ = 	snop  }
0x3a: {  	[tilespmem:s19], [sflag:$0x1] =	stream.indirect.gather [hbm4b:s1+s15], $0x40, s18, s15, $0xb8;
	[tilespmem:$0x15220] =	vst v63  }
0x3b: {  	_ = 	snop  }
0x3c: {  	[tilespmem:s21], [sflag:$0x1] =	stream.indirect.gather [hbm4b:s1+s15], $0x40, s20, s15, $0xb8;
	[tilespmem:$0x15220] =	vst v63  }
0x3d: {  	_ =	swait.ge [sflag:s22], $0x1400  }
0x3e: {  	[sflag:s22] =	ssyncset.done $0x0  }
0x3f: {  	s6 =	simm.s32 $0x140;
	[sflag:s22] =	ssyncadd.s32 $0xFFFFEC00  }
0x40: {  	[tilespmem:s23], [sflag:$0x1] =	stream.indirect.gather [hbm4b:s1+s15], $0x40, s6, s15, $0xb8;
	[tilespmem:$0x15220] =	vst v63  }
0x41: {  	s12 =	simm.s32 $0x2710  }
0x42: {  	[spmem:s3] =	stream.indirect.scatter.add.f32 [tilespmem:s16], [sflag:$0x2], $0x40, s12, s15, $0xb8;
	[tilespmem:$0x15220] =	vst v63  }
0x43: {  	_ =	swait.ge [sflag:s11], $0x1400  }
0x44: {  	[sflag:s11] =	ssyncset.done $0x0  }
0x45: {  	[sflag:s11] =	ssyncadd.s32 $0xFFFFEC00  }
0x46: {  	_ =	swait.ge [sflag:s22], $0x1400  }
0x47: {  	[sflag:s22] =	ssyncset.done $0x0  }
0x48: {  	s6 =	simm.s32 $0x190;
	[sflag:s22] =	ssyncadd.s32 $0xFFFFEC00  }
0x49: {  	[tilespmem:s16], [sflag:$0x1] =	stream.indirect.gather [hbm4b:s1+s15], $0x40, s6, s15, $0xb8;
	[tilespmem:$0x15220] =	vst v63  }
0x4a: {  	s12 =	simm.s32 $0x2760  }
0x4b: {  	[spmem:s3] =	stream.indirect.scatter.add.f32 [tilespmem:s17], [sflag:$0x2], $0x40, s12, s15, $0xb8;
	[tilespmem:$0x15220] =	vst v63  }
0x4c: {  	_ =	swait.ge [sflag:s11], $0x1400  }
0x4d: {  	[sflag:s11] =	ssyncset.done $0x0  }
0x4e: {  	[sflag:s11] =	ssyncadd.s32 $0xFFFFEC00  }
0x4f: {  	_ =	swait.ge [sflag:s22], $0x1400  }
0x50: {  	[sflag:s22] =	ssyncset.done $0x0  }
0x51: {  	s6 =	simm.s32 $0x1E0;
	[sflag:s22] =	ssyncadd.s32 $0xFFFFEC00  }
0x52: {  	[tilespmem:s17], [sflag:$0x1] =	stream.indirect.gather [hbm4b:s1+s15], $0x40, s6, s15, $0xb8;
	[tilespmem:$0x15220] =	vst v63  }
0x53: {  	s12 =	simm.s32 $0x27B0  }
0x54: {  	[spmem:s3] =	stream.indirect.scatter.add.f32 [tilespmem:s19], [sflag:$0x2], $0x40, s12, s15, $0xb8;
	[tilespmem:$0x15220] =	vst v63  }
0x55: {  	_ =	swait.ge [sflag:s11], $0x1400  }
0x56: {  	[sflag:s11] =	ssyncset.done $0x0  }
0x57: {  	[sflag:s11] =	ssyncadd.s32 $0xFFFFEC00  }
0x58: {  	_ =	swait.ge [sflag:s22], $0x1400  }
0x59: {  	[sflag:s22] =	ssyncset.done $0x0  }
0x5a: {  	s6 =	simm.s32 $0x230;
	[sflag:s22] =	ssyncadd.s32 $0xFFFFEC00  }
0x5b: {  	[tilespmem:s19], [sflag:$0x1] =	stream.indirect.gather [hbm4b:s1+s15], $0x40, s6, s15, $0xb8;
	[tilespmem:$0x15220] =	vst v63  }
0x5c: {  	s12 =	simm.s32 $0x2800  }
0x5d: {  	[spmem:s3] =	stream.indirect.scatter.add.f32 [tilespmem:s21], [sflag:$0x2], $0x40, s12, s15, $0xb8;
	[tilespmem:$0x15220] =	vst v63  }
0x5e: {  	_ =	swait.ge [sflag:s11], $0x1400  }
0x5f: {  	[sflag:s11] =	ssyncset.done $0x0  }
0x60: {  	[sflag:s11] =	ssyncadd.s32 $0xFFFFEC00  }
0x61: {  	_ =	swait.ge [sflag:s22], $0x1400  }
0x62: {  	[sflag:s22] =	ssyncset.done $0x0  }
0x63: {  	s6 =	simm.s32 $0x280;
	[sflag:s22] =	ssyncadd.s32 $0xFFFFEC00  }
0x64: {  	[tilespmem:s21], [sflag:$0x1] =	stream.indirect.gather [hbm4b:s1+s15], $0x40, s6, s15, $0xb8;
	[tilespmem:$0x15220] =	vst v63  }
0x65: {  	s12 =	simm.s32 $0x2850  }
0x66: {  	[spmem:s3] =	stream.indirect.scatter.add.f32 [tilespmem:s23], [sflag:$0x2], $0x40, s12, s15, $0xb8;
	[tilespmem:$0x15220] =	vst v63  }
0x67: {  	_ =	swait.ge [sflag:s11], $0x1400  }
0x68: {  	s12 =	simm.s32 $0x640;
	[sflag:s11] =	ssyncset.done $0x0  }
.LBB2_4:
0x69: {  	p0 =	sne.s32 s12, $0x8FC0  }
0x6a: {  	[sflag:s11] =	ssyncadd.s32 $0xFFFFEC00;
	s4 =	smov.u32 s12;
	s12 =	sadd.s32 $0x640, s12  }
0x6b: {  	_ = 	snop  }
0x6c: {  	_ =	swait.ge [sflag:s22], $0x1400  }
0x6d: {  	s4 =	sshra.s32 s4, $0x2;
	[sflag:s22] =	ssyncset.done $0x0  }
0x6e: {  	s6 =	sadd.s32 $0x140, s4;
	[sflag:s22] =	ssyncadd.s32 $0xFFFFEC00  }
0x6f: {  	[tilespmem:s23], [sflag:$0x1] =	stream.indirect.gather [hbm4b:s1+s15], $0x40, s6, s15, $0xb8;
	[tilespmem:$0x15220] =	vst v63  }
0x70: {  	s6 =	sadd.s32 $0x2710, s4  }
0x71: {  	[spmem:s3] =	stream.indirect.scatter.add.f32 [tilespmem:s16], [sflag:$0x2], $0x40, s6, s15, $0xb8;
	[tilespmem:$0x15220] =	vst v63  }
0x72: {  	_ =	swait.ge [sflag:s11], $0x1400  }
0x73: {  	[sflag:s11] =	ssyncset.done $0x0  }
0x74: {  	[sflag:s11] =	ssyncadd.s32 $0xFFFFEC00  }
0x75: {  	_ =	swait.ge [sflag:s22], $0x1400  }
0x76: {  	[sflag:s22] =	ssyncset.done $0x0  }
0x77: {  	s6 =	sadd.s32 $0x190, s4;
	[sflag:s22] =	ssyncadd.s32 $0xFFFFEC00  }
0x78: {  	[tilespmem:s16], [sflag:$0x1] =	stream.indirect.gather [hbm4b:s1+s15], $0x40, s6, s15, $0xb8;
	[tilespmem:$0x15220] =	vst v63  }
0x79: {  	s6 =	sadd.s32 $0x2760, s4  }
0x7a: {  	[spmem:s3] =	stream.indirect.scatter.add.f32 [tilespmem:s17], [sflag:$0x2], $0x40, s6, s15, $0xb8;
	[tilespmem:$0x15220] =	vst v63  }
0x7b: {  	_ =	swait.ge [sflag:s11], $0x1400  }
0x7c: {  	[sflag:s11] =	ssyncset.done $0x0  }
0x7d: {  	[sflag:s11] =	ssyncadd.s32 $0xFFFFEC00  }
0x7e: {  	_ =	swait.ge [sflag:s22], $0x1400  }
0x7f: {  	[sflag:s22] =	ssyncset.done $0x0  }
0x80: {  	s6 =	sadd.s32 $0x1E0, s4;
	[sflag:s22] =	ssyncadd.s32 $0xFFFFEC00  }
0x81: {  	[tilespmem:s17], [sflag:$0x1] =	stream.indirect.gather [hbm4b:s1+s15], $0x40, s6, s15, $0xb8;
	[tilespmem:$0x15220] =	vst v63  }
0x82: {  	s6 =	sadd.s32 $0x27B0, s4  }
0x83: {  	[spmem:s3] =	stream.indirect.scatter.add.f32 [tilespmem:s19], [sflag:$0x2], $0x40, s6, s15, $0xb8;
	[tilespmem:$0x15220] =	vst v63  }
0x84: {  	_ =	swait.ge [sflag:s11], $0x1400  }
0x85: {  	[sflag:s11] =	ssyncset.done $0x0  }
0x86: {  	[sflag:s11] =	ssyncadd.s32 $0xFFFFEC00  }
0x87: {  	_ =	swait.ge [sflag:s22], $0x1400  }
0x88: {  	[sflag:s22] =	ssyncset.done $0x0  }
0x89: {  	s6 =	sadd.s32 $0x230, s4;
	[sflag:s22] =	ssyncadd.s32 $0xFFFFEC00  }
0x8a: {  	[tilespmem:s19], [sflag:$0x1] =	stream.indirect.gather [hbm4b:s1+s15], $0x40, s6, s15, $0xb8;
	[tilespmem:$0x15220] =	vst v63  }
0x8b: {  	s6 =	sadd.s32 $0x2800, s4  }
0x8c: {  	[spmem:s3] =	stream.indirect.scatter.add.f32 [tilespmem:s21], [sflag:$0x2], $0x40, s6, s15, $0xb8;
	[tilespmem:$0x15220] =	vst v63  }
0x8d: {  	_ =	swait.ge [sflag:s11], $0x1400  }
0x8e: {  	[sflag:s11] =	ssyncset.done $0x0  }
0x8f: {  	[sflag:s11] =	ssyncadd.s32 $0xFFFFEC00  }
0x90: {  	_ =	swait.ge [sflag:s22], $0x1400  }
0x91: {  	[sflag:s22] =	ssyncset.done $0x0  }
0x92: {  	s6 =	sadd.s32 $0x280, s4;
	[sflag:s22] =	ssyncadd.s32 $0xFFFFEC00  }
0x93: {  	[tilespmem:s21], [sflag:$0x1] =	stream.indirect.gather [hbm4b:s1+s15], $0x40, s6, s15, $0xb8;
	[tilespmem:$0x15220] =	vst v63  }
.Ltmp1:
0x94: {  	_ = 	snop;
	(pc) =	sbr.rel @p0 .LBB2_4-.Ltmp1, $4  }
0x95: {  	s4 =	sadd.s32 $0x2850, s4  }
0x96: {  	[spmem:s3] =	stream.indirect.scatter.add.f32 [tilespmem:s23], [sflag:$0x2], $0x40, s4, s15, $0xb8;
	[tilespmem:$0x15220] =	vst v63  }
0x97: {  	_ =	swait.ge [sflag:s11], $0x1400  }
0x98: {  	[sflag:s11] =	ssyncset.done $0x0  }
0x99: {  	[sflag:s11] =	ssyncadd.s32 $0xFFFFEC00  }
0x9a: {  	_ =	swait.ge [sflag:s22], $0x1400  }
0x9b: {  	[sflag:s22] =	ssyncset.done $0x0  }
0x9c: {  	[sflag:s22] =	ssyncadd.s32 $0xFFFFEC00  }
0x9d: {  	[tilespmem:s23], [sflag:$0x1] =	stream.indirect.gather [hbm4b:s1+s15], $0x40, s24, s15, $0xb8;
	[tilespmem:$0x15220] =	vst v63  }
0x9e: {  	_ = 	snop  }
0x9f: {  	[spmem:s3] =	stream.indirect.scatter.add.f32 [tilespmem:s16], [sflag:$0x2], $0x40, s25, s15, $0xb8;
	[tilespmem:$0x15220] =	vst v63  }
0xa0: {  	_ =	swait.ge [sflag:s11], $0x1400  }
0xa1: {  	[sflag:s11] =	ssyncset.done $0x0  }
0xa2: {  	[sflag:s11] =	ssyncadd.s32 $0xFFFFEC00  }
0xa3: {  	_ =	swait.ge [sflag:s22], $0x1400  }
0xa4: {  	[sflag:s22] =	ssyncset.done $0x0  }
0xa5: {  	[sflag:s22] =	ssyncadd.s32 $0xFFFFEC00  }
0xa6: {  	[spmem:s3] =	stream.indirect.scatter.add.f32 [tilespmem:s17], [sflag:$0x2], $0x40, s26, s15, $0xb8;
	[tilespmem:$0x15220] =	vst v63  }
0xa7: {  	_ =	swait.ge [sflag:s11], $0x1400  }
0xa8: {  	[sflag:s11] =	ssyncset.done $0x0  }
0xa9: {  	[sflag:s11] =	ssyncadd.s32 $0xFFFFEC00  }
0xaa: {  	_ =	swait.ge [sflag:s22], $0x1400  }
0xab: {  	[sflag:s22] =	ssyncset.done $0x0  }
0xac: {  	[sflag:s22] =	ssyncadd.s32 $0xFFFFEC00  }
0xad: {  	[spmem:s3] =	stream.indirect.scatter.add.f32 [tilespmem:s19], [sflag:$0x2], $0x40, s28, s15, $0xb8;
	[tilespmem:$0x15220] =	vst v63  }
0xae: {  	_ =	swait.ge [sflag:s11], $0x1400  }
0xaf: {  	[sflag:s11] =	ssyncset.done $0x0  }
0xb0: {  	[sflag:s11] =	ssyncadd.s32 $0xFFFFEC00  }
0xb1: {  	_ =	swait.ge [sflag:s22], $0x1400  }
0xb2: {  	[sflag:s22] =	ssyncset.done $0x0  }
0xb3: {  	[sflag:s22] =	ssyncadd.s32 $0xFFFFEC00  }
0xb4: {  	[spmem:s3] =	stream.indirect.scatter.add.f32 [tilespmem:s21], [sflag:$0x2], $0x40, s29, s15, $0xb8;
	[tilespmem:$0x15220] =	vst v63  }
0xb5: {  	_ =	swait.ge [sflag:s11], $0x1400  }
0xb6: {  	[sflag:s11] =	ssyncset.done $0x0  }
0xb7: {  	[sflag:s11] =	ssyncadd.s32 $0xFFFFEC00  }
0xb8: {  	_ =	swait.ge [sflag:s22], $0x1400  }
0xb9: {  	[sflag:s22] =	ssyncset.done $0x0  }
0xba: {  	[sflag:s22] =	ssyncadd.s32 $0xFFFFEC00  }
0xbb: {  	[spmem:s3] =	stream.indirect.scatter.add.f32 [tilespmem:s23], [sflag:$0x2], $0x40, s30, s15, $0xb8;
	[tilespmem:$0x15220] =	vst v63  }
0xbc: {  	_ =	swait.ge [sflag:s11], $0x1400  }
0xbd: {  	[sflag:s11] =	ssyncset.done $0x0  }
0xbe: {  	[sflag:s11] =	ssyncadd.s32 $0xFFFFEC00  }
0xbf: {  	[bflag:$0x0] =	sbarrier.arrive $0xFFFF  }
0xc0: {  	[hbm:s8@s31], [sflag:s13] =	dma.strided [spmem:s14@s2], $0x1400, s22, $0x8   }
0xc1: {  	_ =	swait.ge [sflag:s11], $0x1400  }
0xc2: {  	[sflag:s11] =	ssyncset.done $0x0  }
0xc3: {  	s4 =	simm.s32 $0x0;
	[sflag:s11] =	ssyncadd.s32 $0xFFFFEC00  }
0xc4: {  	v4 =	vld [tilespmem:s4+$0x0]  }
0xc5: {  	v3 =	vld [tilespmem:s4+$0x10]  }
0xc6: {  	v2 =	vld [tilespmem:s4+$0x20]  }
0xc7: {  	s12 =	simm.s32 $0x140;
	v1 =	vld [tilespmem:s4+$0x30]  }
.LBB2_6:
0xc8: {  	p0 =	sne.s32 s12, $0x9B00;
	v5 =	vld [tilespmem:s4+$0x40]  }
0xc9: {  	v4 =	vadd.s32 $0x1, v4  }
.Ltmp2:
0xca: {  	s6 =	sshra.s32 s12, $0x2;
	[tilespmem:s4+$0x0] =	vst v4;
	v3 =	vadd.s32 $0x1, v3;
	(pc) =	sbr.rel @p0 .LBB2_6-.Ltmp2, $4  }
0xcb: {  	v4 =	vld [tilespmem:s6+$0x0];
	[tilespmem:s4+$0x10] =	vst v3;
	v2 =	vadd.s32 $0x1, v2  }
0xcc: {  	v3 =	vld [tilespmem:s6+$0x10];
	[tilespmem:s4+$0x20] =	vst v2;
	v1 =	vadd.s32 $0x1, v1  }
0xcd: {  	v2 =	vld [tilespmem:s6+$0x20];
	[tilespmem:s4+$0x30] =	vst v1;
	v5 =	vadd.s32 $0x1, v5  }
0xce: {  	s12 =	sadd.s32 $0x140, s12;
	v1 =	vld [tilespmem:s6+$0x30];
	[tilespmem:s4+$0x40] =	vst v5;
	s4 =	smov.u32 s6  }
0xcf: {  	v5 =	vld [tilespmem:s4+$0x40]  }
0xd0: {  	v4 =	vadd.s32 $0x1, v4  }
0xd1: {  	[tilespmem:s4+$0x0] =	vst v4;
	v3 =	vadd.s32 $0x1, v3  }
0xd2: {  	[tilespmem:s4+$0x10] =	vst v3;
	v2 =	vadd.s32 $0x1, v2  }
0xd3: {  	[tilespmem:s4+$0x20] =	vst v2;
	v1 =	vadd.s32 $0x1, v1  }
0xd4: {  	[tilespmem:s4+$0x30] =	vst v1;
	v1 =	vadd.s32 $0x1, v5  }
0xd5: {  	[tilespmem:s4+$0x40] =	vst v1  }
0xd6: {  	[spmem:s14], [sflag:s13] =	dma.local [hbm:s5], $0x1400  }
0xd7: {  	_ =	swait.ge [sflag:s11], $0x1400  }
0xd8: {  	[sflag:s11] =	ssyncset.done $0x0  }
0xd9: {  	[sflag:s11] =	ssyncadd.s32 $0xFFFFEC00  }
0xda: {  	s12 =	simm.s32 $0x0;
	[bflag:$0x0] =	sbarrier.arrive $0xFFFF  }
0xdb: {  	[tilespmem:s16], [sflag:$0x1] =	stream.indirect.gather [hbm4b:s1+s15], $0x40, s12, s15, $0xb8;
	[tilespmem:$0x15220] =	vst v63  }
0xdc: {  	_ = 	snop  }
0xdd: {  	[tilespmem:s17], [sflag:$0x1] =	stream.indirect.gather [hbm4b:s1+s15], $0x40, s15, s15, $0xb8;
	[tilespmem:$0x15220] =	vst v63  }
0xde: {  	_ = 	snop  }
0xdf: {  	[tilespmem:s19], [sflag:$0x1] =	stream.indirect.gather [hbm4b:s1+s15], $0x40, s18, s15, $0xb8;
	[tilespmem:$0x15220] =	vst v63  }
0xe0: {  	_ = 	snop  }
0xe1: {  	[tilespmem:s21], [sflag:$0x1] =	stream.indirect.gather [hbm4b:s1+s15], $0x40, s20, s15, $0xb8;
	[tilespmem:$0x15220] =	vst v63  }
0xe2: {  	_ =	swait.ge [sflag:s22], $0x1400  }
0xe3: {  	[sflag:s22] =	ssyncset.done $0x0  }
0xe4: {  	s6 =	simm.s32 $0x140;
	[sflag:s22] =	ssyncadd.s32 $0xFFFFEC00  }
0xe5: {  	[tilespmem:s23], [sflag:$0x1] =	stream.indirect.gather [hbm4b:s1+s15], $0x40, s6, s15, $0xb8;
	[tilespmem:$0x15220] =	vst v63  }
0xe6: {  	s12 =	simm.s32 $0x2710  }
0xe7: {  	[spmem:s3] =	stream.indirect.scatter.add.f32 [tilespmem:s16], [sflag:$0x2], $0x40, s12, s15, $0xb8;
	[tilespmem:$0x15220] =	vst v63  }
0xe8: {  	_ =	swait.ge [sflag:s11], $0x1400  }
0xe9: {  	[sflag:s11] =	ssyncset.done $0x0  }
0xea: {  	[sflag:s11] =	ssyncadd.s32 $0xFFFFEC00  }
0xeb: {  	_ =	swait.ge [sflag:s22], $0x1400  }
0xec: {  	[sflag:s22] =	ssyncset.done $0x0  }
0xed: {  	s6 =	simm.s32 $0x190;
	[sflag:s22] =	ssyncadd.s32 $0xFFFFEC00  }
0xee: {  	[tilespmem:s16], [sflag:$0x1] =	stream.indirect.gather [hbm4b:s1+s15], $0x40, s6, s15, $0xb8;
	[tilespmem:$0x15220] =	vst v63  }
0xef: {  	s12 =	simm.s32 $0x2760  }
0xf0: {  	[spmem:s3] =	stream.indirect.scatter.add.f32 [tilespmem:s17], [sflag:$0x2], $0x40, s12, s15, $0xb8;
	[tilespmem:$0x15220] =	vst v63  }
0xf1: {  	_ =	swait.ge [sflag:s11], $0x1400  }
0xf2: {  	[sflag:s11] =	ssyncset.done $0x0  }
0xf3: {  	[sflag:s11] =	ssyncadd.s32 $0xFFFFEC00  }
0xf4: {  	_ =	swait.ge [sflag:s22], $0x1400  }
0xf5: {  	[sflag:s22] =	ssyncset.done $0x0  }
0xf6: {  	s6 =	simm.s32 $0x1E0;
	[sflag:s22] =	ssyncadd.s32 $0xFFFFEC00  }
0xf7: {  	[tilespmem:s17], [sflag:$0x1] =	stream.indirect.gather [hbm4b:s1+s15], $0x40, s6, s15, $0xb8;
	[tilespmem:$0x15220] =	vst v63  }
0xf8: {  	s12 =	simm.s32 $0x27B0  }
0xf9: {  	[spmem:s3] =	stream.indirect.scatter.add.f32 [tilespmem:s19], [sflag:$0x2], $0x40, s12, s15, $0xb8;
	[tilespmem:$0x15220] =	vst v63  }
0xfa: {  	_ =	swait.ge [sflag:s11], $0x1400  }
0xfb: {  	[sflag:s11] =	ssyncset.done $0x0  }
0xfc: {  	[sflag:s11] =	ssyncadd.s32 $0xFFFFEC00  }
0xfd: {  	_ =	swait.ge [sflag:s22], $0x1400  }
0xfe: {  	[sflag:s22] =	ssyncset.done $0x0  }
0xff: {  	s6 =	simm.s32 $0x230;
	[sflag:s22] =	ssyncadd.s32 $0xFFFFEC00  }
0x100: {  	[tilespmem:s19], [sflag:$0x1] =	stream.indirect.gather [hbm4b:s1+s15], $0x40, s6, s15, $0xb8;
	[tilespmem:$0x15220] =	vst v63  }
0x101: {  	s12 =	simm.s32 $0x2800  }
0x102: {  	[spmem:s3] =	stream.indirect.scatter.add.f32 [tilespmem:s21], [sflag:$0x2], $0x40, s12, s15, $0xb8;
	[tilespmem:$0x15220] =	vst v63  }
0x103: {  	_ =	swait.ge [sflag:s11], $0x1400  }
0x104: {  	[sflag:s11] =	ssyncset.done $0x0  }
0x105: {  	[sflag:s11] =	ssyncadd.s32 $0xFFFFEC00  }
0x106: {  	_ =	swait.ge [sflag:s22], $0x1400  }
0x107: {  	[sflag:s22] =	ssyncset.done $0x0  }
0x108: {  	s6 =	simm.s32 $0x280;
	[sflag:s22] =	ssyncadd.s32 $0xFFFFEC00  }
0x109: {  	[tilespmem:s21], [sflag:$0x1] =	stream.indirect.gather [hbm4b:s1+s15], $0x40, s6, s15, $0xb8;
	[tilespmem:$0x15220] =	vst v63  }
0x10a: {  	s12 =	simm.s32 $0x2850  }
0x10b: {  	[spmem:s3] =	stream.indirect.scatter.add.f32 [tilespmem:s23], [sflag:$0x2], $0x40, s12, s15, $0xb8;
	[tilespmem:$0x15220] =	vst v63  }
0x10c: {  	_ =	swait.ge [sflag:s11], $0x1400  }
0x10d: {  	s12 =	simm.s32 $0x640;
	[sflag:s11] =	ssyncset.done $0x0  }
.LBB2_8:
0x10e: {  	p0 =	sne.s32 s12, $0x8FC0  }
0x10f: {  	[sflag:s11] =	ssyncadd.s32 $0xFFFFEC00;
	s4 =	smov.u32 s12;
	s12 =	sadd.s32 $0x640, s12  }
0x110: {  	_ = 	snop  }
0x111: {  	_ =	swait.ge [sflag:s22], $0x1400  }
0x112: {  	s4 =	sshra.s32 s4, $0x2;
	[sflag:s22] =	ssyncset.done $0x0  }
0x113: {  	s6 =	sadd.s32 $0x140, s4;
	[sflag:s22] =	ssyncadd.s32 $0xFFFFEC00  }
0x114: {  	[tilespmem:s23], [sflag:$0x1] =	stream.indirect.gather [hbm4b:s1+s15], $0x40, s6, s15, $0xb8;
	[tilespmem:$0x15220] =	vst v63  }
0x115: {  	s6 =	sadd.s32 $0x2710, s4  }
0x116: {  	[spmem:s3] =	stream.indirect.scatter.add.f32 [tilespmem:s16], [sflag:$0x2], $0x40, s6, s15, $0xb8;
	[tilespmem:$0x15220] =	vst v63  }
0x117: {  	_ =	swait.ge [sflag:s11], $0x1400  }
0x118: {  	[sflag:s11] =	ssyncset.done $0x0  }
0x119: {  	[sflag:s11] =	ssyncadd.s32 $0xFFFFEC00  }
0x11a: {  	_ =	swait.ge [sflag:s22], $0x1400  }
0x11b: {  	[sflag:s22] =	ssyncset.done $0x0  }
0x11c: {  	s6 =	sadd.s32 $0x190, s4;
	[sflag:s22] =	ssyncadd.s32 $0xFFFFEC00  }
0x11d: {  	[tilespmem:s16], [sflag:$0x1] =	stream.indirect.gather [hbm4b:s1+s15], $0x40, s6, s15, $0xb8;
	[tilespmem:$0x15220] =	vst v63  }
0x11e: {  	s6 =	sadd.s32 $0x2760, s4  }
0x11f: {  	[spmem:s3] =	stream.indirect.scatter.add.f32 [tilespmem:s17], [sflag:$0x2], $0x40, s6, s15, $0xb8;
	[tilespmem:$0x15220] =	vst v63  }
0x120: {  	_ =	swait.ge [sflag:s11], $0x1400  }
0x121: {  	[sflag:s11] =	ssyncset.done $0x0  }
0x122: {  	[sflag:s11] =	ssyncadd.s32 $0xFFFFEC00  }
0x123: {  	_ =	swait.ge [sflag:s22], $0x1400  }
0x124: {  	[sflag:s22] =	ssyncset.done $0x0  }
0x125: {  	s6 =	sadd.s32 $0x1E0, s4;
	[sflag:s22] =	ssyncadd.s32 $0xFFFFEC00  }
0x126: {  	[tilespmem:s17], [sflag:$0x1] =	stream.indirect.gather [hbm4b:s1+s15], $0x40, s6, s15, $0xb8;
	[tilespmem:$0x15220] =	vst v63  }
0x127: {  	s6 =	sadd.s32 $0x27B0, s4  }
0x128: {  	[spmem:s3] =	stream.indirect.scatter.add.f32 [tilespmem:s19], [sflag:$0x2], $0x40, s6, s15, $0xb8;
	[tilespmem:$0x15220] =	vst v63  }
0x129: {  	_ =	swait.ge [sflag:s11], $0x1400  }
0x12a: {  	[sflag:s11] =	ssyncset.done $0x0  }
0x12b: {  	[sflag:s11] =	ssyncadd.s32 $0xFFFFEC00  }
0x12c: {  	_ =	swait.ge [sflag:s22], $0x1400  }
0x12d: {  	[sflag:s22] =	ssyncset.done $0x0  }
0x12e: {  	s6 =	sadd.s32 $0x230, s4;
	[sflag:s22] =	ssyncadd.s32 $0xFFFFEC00  }
0x12f: {  	[tilespmem:s19], [sflag:$0x1] =	stream.indirect.gather [hbm4b:s1+s15], $0x40, s6, s15, $0xb8;
	[tilespmem:$0x15220] =	vst v63  }
0x130: {  	s6 =	sadd.s32 $0x2800, s4  }
0x131: {  	[spmem:s3] =	stream.indirect.scatter.add.f32 [tilespmem:s21], [sflag:$0x2], $0x40, s6, s15, $0xb8;
	[tilespmem:$0x15220] =	vst v63  }
0x132: {  	_ =	swait.ge [sflag:s11], $0x1400  }
0x133: {  	[sflag:s11] =	ssyncset.done $0x0  }
0x134: {  	[sflag:s11] =	ssyncadd.s32 $0xFFFFEC00  }
0x135: {  	_ =	swait.ge [sflag:s22], $0x1400  }
0x136: {  	[sflag:s22] =	ssyncset.done $0x0  }
0x137: {  	s6 =	sadd.s32 $0x280, s4;
	[sflag:s22] =	ssyncadd.s32 $0xFFFFEC00  }
0x138: {  	[tilespmem:s21], [sflag:$0x1] =	stream.indirect.gather [hbm4b:s1+s15], $0x40, s6, s15, $0xb8;
	[tilespmem:$0x15220] =	vst v63  }
.Ltmp3:
0x139: {  	_ = 	snop;
	(pc) =	sbr.rel @p0 .LBB2_8-.Ltmp3, $4  }
0x13a: {  	s4 =	sadd.s32 $0x2850, s4  }
0x13b: {  	[spmem:s3] =	stream.indirect.scatter.add.f32 [tilespmem:s23], [sflag:$0x2], $0x40, s4, s15, $0xb8;
	[tilespmem:$0x15220] =	vst v63  }
0x13c: {  	_ =	swait.ge [sflag:s11], $0x1400  }
0x13d: {  	[sflag:s11] =	ssyncset.done $0x0  }
0x13e: {  	[sflag:s11] =	ssyncadd.s32 $0xFFFFEC00  }
0x13f: {  	_ =	swait.ge [sflag:s22], $0x1400  }
0x140: {  	[sflag:s22] =	ssyncset.done $0x0  }
0x141: {  	[sflag:s22] =	ssyncadd.s32 $0xFFFFEC00  }
0x142: {  	[tilespmem:s23], [sflag:$0x1] =	stream.indirect.gather [hbm4b:s1+s15], $0x40, s24, s15, $0xb8;
	[tilespmem:$0x15220] =	vst v63  }
0x143: {  	_ = 	snop  }
0x144: {  	[spmem:s3] =	stream.indirect.scatter.add.f32 [tilespmem:s16], [sflag:$0x2], $0x40, s25, s15, $0xb8;
	[tilespmem:$0x15220] =	vst v63  }
0x145: {  	_ =	swait.ge [sflag:s11], $0x1400  }
0x146: {  	[sflag:s11] =	ssyncset.done $0x0  }
0x147: {  	[sflag:s11] =	ssyncadd.s32 $0xFFFFEC00  }
0x148: {  	_ =	swait.ge [sflag:s22], $0x1400  }
0x149: {  	[sflag:s22] =	ssyncset.done $0x0  }
0x14a: {  	[sflag:s22] =	ssyncadd.s32 $0xFFFFEC00  }
0x14b: {  	[spmem:s3] =	stream.indirect.scatter.add.f32 [tilespmem:s17], [sflag:$0x2], $0x40, s26, s15, $0xb8;
	[tilespmem:$0x15220] =	vst v63  }
0x14c: {  	_ =	swait.ge [sflag:s11], $0x1400  }
0x14d: {  	[sflag:s11] =	ssyncset.done $0x0  }
0x14e: {  	[sflag:s11] =	ssyncadd.s32 $0xFFFFEC00  }
0x14f: {  	_ =	swait.ge [sflag:s22], $0x1400  }
0x150: {  	[sflag:s22] =	ssyncset.done $0x0  }
0x151: {  	[sflag:s22] =	ssyncadd.s32 $0xFFFFEC00  }
0x152: {  	[spmem:s3] =	stream.indirect.scatter.add.f32 [tilespmem:s19], [sflag:$0x2], $0x40, s28, s15, $0xb8;
	[tilespmem:$0x15220] =	vst v63  }
0x153: {  	_ =	swait.ge [sflag:s11], $0x1400  }
0x154: {  	[sflag:s11] =	ssyncset.done $0x0  }
0x155: {  	[sflag:s11] =	ssyncadd.s32 $0xFFFFEC00  }
0x156: {  	_ =	swait.ge [sflag:s22], $0x1400  }
0x157: {  	[sflag:s22] =	ssyncset.done $0x0  }
0x158: {  	[sflag:s22] =	ssyncadd.s32 $0xFFFFEC00  }
0x159: {  	[spmem:s3] =	stream.indirect.scatter.add.f32 [tilespmem:s21], [sflag:$0x2], $0x40, s29, s15, $0xb8;
	[tilespmem:$0x15220] =	vst v63  }
0x15a: {  	_ =	swait.ge [sflag:s11], $0x1400  }
0x15b: {  	[sflag:s11] =	ssyncset.done $0x0  }
0x15c: {  	[sflag:s11] =	ssyncadd.s32 $0xFFFFEC00  }
0x15d: {  	_ =	swait.ge [sflag:s22], $0x1400  }
0x15e: {  	[sflag:s22] =	ssyncset.done $0x0  }
0x15f: {  	[sflag:s22] =	ssyncadd.s32 $0xFFFFEC00  }
0x160: {  	[spmem:s3] =	stream.indirect.scatter.add.f32 [tilespmem:s23], [sflag:$0x2], $0x40, s30, s15, $0xb8;
	[tilespmem:$0x15220] =	vst v63  }
0x161: {  	_ =	swait.ge [sflag:s11], $0x1400  }
0x162: {  	s0 =	sadd.s32 $0x1, s0;
	[sflag:s11] =	ssyncset.done $0x0  }
0x163: {  	p0 =	sne.s32 s0, s10;
	[sflag:s11] =	ssyncadd.s32 $0xFFFFEC00  }
.Ltmp4:
0x164: {  	[bflag:$0x0] =	sbarrier.arrive $0xFFFF;
	(pc) =	sbr.rel @p0 .LBB2_1-.Ltmp4, $4  }
0x165: {  	[hbm:s9@s31], [sflag:s13] =	dma.strided [spmem:s14@s2], $0x1400, s22, $0x8   }
0x166: {  	_ =	swait.ge [sflag:s11], $0x1400  }
0x167: {  	[sflag:s11] =	ssyncset.done $0x0  }
0x168: {  	[sflag:s11] =	ssyncadd.s32 $0xFFFFEC00  }
0x169: {  	_ =	sfence.sel $0x180000  }
0x16a: {  	[bflag:$0x0] =	sbarrier.arrive $0xFFFF  }
0x16b: {  	_ =	strace $0x9000004A  }
0x16c: {  	s0 =	stileid.u32;
	[bflag:$0x2] =	sbarrier.arrive $0xFFFF  }
0x16d: {  	p0 =	sne.s32 s0, $0x0;
	s0 =	rddreg [dreg:$0x3]  }
0x16e: {  	s0 =	sadd.s32 @!p0 $0x100000, s0  }
0x16f: {  	[sflag:s0] =	ssyncadd.tile.s32 @!p0 $0x1;
	_ =	shalt  }
.Lfunc_end2:
_tile_overlayer_lowered:
.L_overlay_start_2:
0x170: {  	(tag) =	ssettag $0x2  }
0x171: {  	s0 =	rddreg [dreg:$0x0];
	s2 =	stileid.u32  }
0x172: {  	s1 =	rddreg [dreg:$0x1];
	p0 =	sne.s32 s2, $0x0  }
0x173: {  	s3 =	rddreg [dreg:$0x2];
	[bflag:$0x3] =	sbarrier.arrive $0xFFFF;
	s2 =	simm.s32 @!p0 $0x1C02  }
0x174: {  	[timem:s3], [sflag:s2] =	dma.local @!p0 [hbm:s0], s1  }
0x175: {  	s0 =	simm.s32 @!p0 $0x2  }
0x176: {  	_ =	swait.ge @!p0 [sflag:s0], s1  }
0x177: {  	s1 =	ssub.s32 @!p0 $0x0, s1;
	[sflag:s0] =	ssyncset.done @!p0 $0x0  }
0x178: {  	[sflag:s0] =	ssyncadd.s32 @!p0 s1  }
0x179: {  	[bflag:$0x3] =	sbarrier.arrive $0xFFFF  }
0x17a: {  	_ =	shalt  }

</sc_bundles>
